<compile_context>
chip_gen: v7x
topology: tpu7x:2x2x1
jax: 0.10.2.dev20260603
libtpu: 0.0.44.dev20260713+nightly
codegen_flags: <defaults>
</compile_context>

<pallas_src>
import functools
import jax
import jax.numpy as jnp
from jax import lax
from jax.experimental import pallas as pl
from jax.experimental.pallas import tpu as pltpu
from jax.experimental.pallas import tpu_sc as plsc

_N = 4096
_D = 64
_C = 8
_BM = 512
_NW = 32
_RW = _N // _NW


def _sc_gather_body(ft1p, ft2p, t1_hbm, t2_hbm, a_hbm, b_hbm,
                    t_v, idx_v, rows_v, sem):
    cid = lax.axis_index("c")
    sid = lax.axis_index("s")
    base = (sid * 2 + cid) * _RW
    lanes = lax.iota(jnp.int32, 16)
    for src, dst in ((t1_hbm, a_hbm), (t2_hbm, b_hbm)):
        pltpu.sync_copy(src.at[pl.ds(base, _RW)], t_v)
        for i in range(_RW // 16):
            t16 = t_v[pl.ds(16 * i, 16)]
            idx_v[pl.ds(16 * i, 16)] = (
                (t16 >> 1) + 4 * lanes + 4 * (base + 16 * i))
        table = ft1p if dst is a_hbm else ft2p
        pltpu.async_copy(table.at[idx_v], rows_v, sem).wait()
        pltpu.sync_copy(rows_v, dst.at[pl.ds(base, _RW)])


def _sc_gather(ft1p, ft2p, t1, t2):
    mesh = plsc.VectorSubcoreMesh(core_axis_name="c", subcore_axis_name="s")
    f = pl.kernel(
        _sc_gather_body,
        mesh=mesh,
        out_type=[
            jax.ShapeDtypeStruct((_N, 16), jnp.float32),
            jax.ShapeDtypeStruct((_N, 16), jnp.float32),
        ],
        scratch_types=[
            pltpu.VMEM((_RW,), jnp.int32),
            pltpu.VMEM((_RW,), jnp.int32),
            pltpu.VMEM((_RW, 16), jnp.float32),
            pltpu.SemaphoreType.DMA,
        ],
        compiler_params=pltpu.CompilerParams(use_tc_tiling_on_sc=False),
    )
    return f(ft1p, ft2p, t1, t2)


def _slot_kernel(f1_ref, f2_ref, a2_ref, b2_ref, t1_ref, t2c_ref, t2r_ref,
                 out_ref):
    f1 = f1_ref[...]
    f2 = f2_ref[...]
    a2 = a2_ref[...]
    b2 = b2_ref[...]
    t1 = t1_ref[...]
    t2c = t2c_ref[...]
    t2r = t2r_ref[...]

    half1 = lax.broadcasted_iota(jnp.int32, (_BM, 16), 1) // _C
    ma = jnp.where(half1 == (t1 & 1), a2, 0.0)
    half2 = lax.broadcasted_iota(jnp.int32, (_N, 16), 1) // _C
    mb = jnp.where(half2 == (t2c & 1), b2, 0.0)

    ka = lax.broadcasted_iota(jnp.int32, (16, 16), 0) % _C
    kb = lax.broadcasted_iota(jnp.int32, (16, 16), 1) % _C
    p = jnp.where(ka == kb, 1.0, 0.0).astype(jnp.bfloat16)

    c1 = jax.lax.dot_general(
        ma.astype(jnp.bfloat16), p, (((1,), (0,)), ((), ())),
        preferred_element_type=jnp.float32)
    cross = jax.lax.dot_general(
        c1.astype(jnp.bfloat16), mb.astype(jnp.bfloat16),
        (((1,), (1,)), ((), ())),
        preferred_element_type=jnp.float32)
    full = jax.lax.dot_general(
        f1, f2, (((1,), (1,)), ((), ())),
        preferred_element_type=jnp.float32)

    mask = t1 == t2r
    out_ref[...] = jnp.where(mask, full, cross)


@jax.jit
def kernel(ft_1, ft_2, type1, type2):
    t1 = type1.astype(jnp.int32)
    t2 = type2.astype(jnp.int32)
    a2, b2 = _sc_gather(ft_1.reshape(_N * 4, 16), ft_2.reshape(_N * 4, 16),
                        t1, t2)
    t1c = t1.reshape(_N, 1)
    t2c = t2.reshape(_N, 1)
    t2r = t2.reshape(1, _N)

    grid = (_N // _BM,)
    return pl.pallas_call(
        _slot_kernel,
        grid=grid,
        in_specs=[
            pl.BlockSpec((_BM, _D), lambda i: (i, 0)),
            pl.BlockSpec((_N, _D), lambda i: (0, 0)),
            pl.BlockSpec((_BM, 16), lambda i: (i, 0)),
            pl.BlockSpec((_N, 16), lambda i: (0, 0)),
            pl.BlockSpec((_BM, 1), lambda i: (i, 0)),
            pl.BlockSpec((_N, 1), lambda i: (0, 0)),
            pl.BlockSpec((1, _N), lambda i: (0, 0)),
        ],
        out_specs=pl.BlockSpec((_BM, _N), lambda i: (i, 0)),
        out_shape=jax.ShapeDtypeStruct((_N, _N), jnp.float32),
    )(ft_1, ft_2, a2, b2, t1c, t2c, t2r)

# --- scband reference (transcript-rebuilt; emitter-appended) ---
"""Pipeline reference for scband-slot-matching-module-51488067944939 (READ-ONLY COPY).

The authoritative reference and input builder live on the scoring server;
editing this copy changes nothing except your own understanding.
"""

import jax, jax.numpy as jnp
import numpy as np

NUM_CLASSES = 8


def setup_inputs(seed: int = 0) -> dict:
    key = jax.random.key(seed)
    k1, k2, k3, k4 = jax.random.split(key, 4)
    ft_1 = jax.random.normal(k1, (4096, 64), dtype=jnp.float32)
    ft_2 = jax.random.normal(k2, (4096, 64), dtype=jnp.float32)
    type1 = jax.random.randint(k3, (4096,), 0, 8, dtype=jnp.int64) if jax.config.jax_enable_x64 else jax.random.randint(k3, (4096,), 0, 8).astype(jnp.int32)
    type2 = jax.random.randint(k4, (4096,), 0, 8, dtype=jnp.int64) if jax.config.jax_enable_x64 else jax.random.randint(k4, (4096,), 0, 8).astype(jnp.int32)
    return {"ft_1": ft_1, "ft_2": ft_2, "type1": type1, "type2": type2}


def _slot_sim(ft_1, ft_2, type1, type2):
    # Vectorized, faithful translation of the double python loop:
    #   if t1 == t2: full dot over all d
    #   else: dot of slot slices ft_1[i, t1*C:(t1+1)*C] . ft_2[j, t2*C:(t2+1)*C]
    C = NUM_CLASSES
    full = ft_1 @ ft_2.T  # [n1, n2]
    col = jnp.arange(C)
    idx1 = type1[:, None] * C + col[None, :]  # [n1, C]
    idx2 = type2[:, None] * C + col[None, :]  # [n2, C]
    A = jnp.take_along_axis(ft_1, idx1, axis=1)  # [n1, C] per-row slot gather
    B = jnp.take_along_axis(ft_2, idx2, axis=1)  # [n2, C]
    cross = A @ B.T  # [n1, n2]
    mask = type1[:, None] == type2[None, :]
    return jnp.where(mask, full, cross)


def reference(ft_1, ft_2, type1, type2):
    return _slot_sim(ft_1, ft_2, type1, type2)

if __name__ == "__main__":
    import jax
    _d = setup_inputs()
    print(jax.jit(kernel)(*tuple(_d.values())))

</pallas_src>

<mosaic_0001>
#map = affine_map<(d0, d1) -> (0, 0)>
#map1 = affine_map<(d0, d1) -> (0)>
module attributes {stable_mosaic.version = 14 : i64} {
  func.func @_sc_gather_body(%arg0: i32, %arg1: i32, %arg2: memref<16384x16xf32, #tpu.memory_space<hbm>>, %arg3: memref<16384x16xf32, #tpu.memory_space<hbm>>, %arg4: memref<4096xi32, #tpu.memory_space<hbm>>, %arg5: memref<4096xi32, #tpu.memory_space<hbm>>, %arg6: memref<4096x16xf32, #tpu.memory_space<hbm>>, %arg7: memref<4096x16xf32, #tpu.memory_space<hbm>>, %arg8: memref<128xi32, #tpu.memory_space<vmem>>, %arg9: memref<128xi32, #tpu.memory_space<vmem>>, %arg10: memref<128x16xf32, #tpu.memory_space<vmem>>, %arg11: memref<!tpu.dma_semaphore, #tpu.memory_space<semaphore_mem>>) attributes {dimension_semantics = [#tpu.dimension_semantics<core_parallel>, #tpu.dimension_semantics<subcore_parallel>], iteration_bounds = array<i64: 2, 16>, scalar_prefetch = 0 : i64, scratch_operands = 4 : i64, tpu.core_type = #tpu.core_type<sc_vector_subcore>, window_params = [{transform_indices = #map}, {transform_indices = #map}, {transform_indices = #map1}, {transform_indices = #map1}, {transform_indices = #map}, {transform_indices = #map}]} {
    %mul3A = arith.constant 2 : i32
    %mul3A_0 = arith.muli %arg1, %mul3A : i32
    %add3A = arith.addi %mul3A_0, %arg0 : i32
    %mul3A_1 = arith.constant 128 : i32
    %mul3A_2 = arith.muli %add3A, %mul3A_1 : i32
    %iota3A = tpu.iota {dimensions = array<i32: 0>} : vector<16xi32>
    "tpu.region"() ({
      %run_scoped3A = tpu.sem_alloc : memref<!tpu.dma_semaphore, #tpu.memory_space<semaphore_mem>>
      %dma_start3A_330 = tpu.memref_slice %arg4[%mul3A_2] : memref<4096xi32, #tpu.memory_space<hbm>> -> memref<128xi32, #tpu.memory_space<hbm>>
      %dma_start3A_331 = tpu.memref_slice %arg4[%mul3A_2] : memref<4096xi32, #tpu.memory_space<hbm>> -> memref<128xi32, #tpu.memory_space<hbm>>
      tpu.enqueue_dma source(%dma_start3A_331 : memref<128xi32, #tpu.memory_space<hbm>>) target(%arg8 : memref<128xi32, #tpu.memory_space<vmem>>) target_semaphore(%run_scoped3A : memref<!tpu.dma_semaphore, #tpu.memory_space<semaphore_mem>>)
      %dma_wait3A_332 = tpu.memref_slice %arg4[%mul3A_2] : memref<4096xi32, #tpu.memory_space<hbm>> -> memref<128xi32, #tpu.memory_space<hbm>>
      %dma_wait3A_333 = tpu.memref_slice %arg4[%mul3A_2] : memref<4096xi32, #tpu.memory_space<hbm>> -> memref<128xi32, #tpu.memory_space<hbm>>
      tpu.wait_dma2 semaphore(%run_scoped3A : memref<!tpu.dma_semaphore, #tpu.memory_space<semaphore_mem>>) src(%dma_wait3A_333 : memref<128xi32, #tpu.memory_space<hbm>>) dst(%arg8 : memref<128xi32, #tpu.memory_space<vmem>>)
      tpu.yield
    }) : () -> ()
    %get3A = arith.constant 0 : index
    %get3A_3 = tpu.vector_load %arg8[%get3A] {strides = array<i32>} : memref<128xi32, #tpu.memory_space<vmem>>, vector<16xi32>,
    %get3A_4 = vector.shape_cast %get3A_3 : vector<16xi32> to vector<16xi32>
    %shift_right_arithmetic3A = arith.constant 1 : i32
    %shift_right_arithmetic3A_5 = vector.broadcast %shift_right_arithmetic3A : i32 to vector<16xi32>
    %shift_right_arithmetic3A_6 = arith.shrsi %get3A_4, %shift_right_arithmetic3A_5 : vector<16xi32>
    %mul3A_7 = arith.constant 4 : i32
    %mul3A_8 = vector.broadcast %mul3A_7 : i32 to vector<16xi32>
    %mul3A_9 = arith.muli %mul3A_8, %iota3A : vector<16xi32>
    %add3A_10 = arith.addi %shift_right_arithmetic3A_6, %mul3A_9 : vector<16xi32>
    %add3A_11 = arith.constant 0 : i32
    %add3A_12 = arith.addi %mul3A_2, %add3A_11 : i32
    %mul3A_13 = arith.constant 4 : i32
    %mul3A_14 = arith.muli %mul3A_13, %add3A_12 : i32
    %add3A_15 = vector.broadcast %mul3A_14 : i32 to vector<16xi32>
    %add3A_16 = arith.addi %add3A_10, %add3A_15 : vector<16xi32>
    %swap3A = arith.constant 0 : index
    %swap3A_17 = tpu.vector_load %arg9[%swap3A] {strides = array<i32>} : memref<128xi32, #tpu.memory_space<vmem>>, vector<16xi32>,
    %swap3A_18 = vector.shape_cast %swap3A_17 : vector<16xi32> to vector<16xi32>
    %swap3A_19 = vector.shape_cast %add3A_16 : vector<16xi32> to vector<16xi32>
    tpu.vector_store %arg9[%swap3A], %swap3A_19 {strides = array<i32>} : memref<128xi32, #tpu.memory_space<vmem>>, vector<16xi32>,
    %get3A_20 = arith.constant 16 : index
    %get3A_21 = tpu.vector_load %arg8[%get3A_20] {strides = array<i32>} : memref<128xi32, #tpu.memory_space<vmem>>, vector<16xi32>,
    %get3A_22 = vector.shape_cast %get3A_21 : vector<16xi32> to vector<16xi32>
    %shift_right_arithmetic3A_23 = arith.constant 1 : i32
    %shift_right_arithmetic3A_24 = vector.broadcast %shift_right_arithmetic3A_23 : i32 to vector<16xi32>
    %shift_right_arithmetic3A_25 = arith.shrsi %get3A_22, %shift_right_arithmetic3A_24 : vector<16xi32>
    %mul3A_26 = arith.constant 4 : i32
    %mul3A_27 = vector.broadcast %mul3A_26 : i32 to vector<16xi32>
    %mul3A_28 = arith.muli %mul3A_27, %iota3A : vector<16xi32>
    %add3A_29 = arith.addi %shift_right_arithmetic3A_25, %mul3A_28 : vector<16xi32>
    %add3A_30 = arith.constant 16 : i32
    %add3A_31 = arith.addi %mul3A_2, %add3A_30 : i32
    %mul3A_32 = arith.constant 4 : i32
    %mul3A_33 = arith.muli %mul3A_32, %add3A_31 : i32
    %add3A_34 = vector.broadcast %mul3A_33 : i32 to vector<16xi32>
    %add3A_35 = arith.addi %add3A_29, %add3A_34 : vector<16xi32>
    %swap3A_36 = arith.constant 16 : index
    %swap3A_37 = tpu.vector_load %arg9[%swap3A_36] {strides = array<i32>} : memref<128xi32, #tpu.memory_space<vmem>>, vector<16xi32>,
    %swap3A_38 = vector.shape_cast %swap3A_37 : vector<16xi32> to vector<16xi32>
    %swap3A_39 = vector.shape_cast %add3A_35 : vector<16xi32> to vector<16xi32>
    tpu.vector_store %arg9[%swap3A_36], %swap3A_39 {strides = array<i32>} : memref<128xi32, #tpu.memory_space<vmem>>, vector<16xi32>,
    %get3A_40 = arith.constant 32 : index
    %get3A_41 = tpu.vector_load %arg8[%get3A_40] {strides = array<i32>} : memref<128xi32, #tpu.memory_space<vmem>>, vector<16xi32>,
    %get3A_42 = vector.shape_cast %get3A_41 : vector<16xi32> to vector<16xi32>
    %shift_right_arithmetic3A_43 = arith.constant 1 : i32
    %shift_right_arithmetic3A_44 = vector.broadcast %shift_right_arithmetic3A_43 : i32 to vector<16xi32>
    %shift_right_arithmetic3A_45 = arith.shrsi %get3A_42, %shift_right_arithmetic3A_44 : vector<16xi32>
    %mul3A_46 = arith.constant 4 : i32
    %mul3A_47 = vector.broadcast %mul3A_46 : i32 to vector<16xi32>
    %mul3A_48 = arith.muli %mul3A_47, %iota3A : vector<16xi32>
    %add3A_49 = arith.addi %shift_right_arithmetic3A_45, %mul3A_48 : vector<16xi32>
    %add3A_50 = arith.constant 32 : i32
    %add3A_51 = arith.addi %mul3A_2, %add3A_50 : i32
    %mul3A_52 = arith.constant 4 : i32
    %mul3A_53 = arith.muli %mul3A_52, %add3A_51 : i32
    %add3A_54 = vector.broadcast %mul3A_53 : i32 to vector<16xi32>
    %add3A_55 = arith.addi %add3A_49, %add3A_54 : vector<16xi32>
    %swap3A_56 = arith.constant 32 : index
    %swap3A_57 = tpu.vector_load %arg9[%swap3A_56] {strides = array<i32>} : memref<128xi32, #tpu.memory_space<vmem>>, vector<16xi32>,
    %swap3A_58 = vector.shape_cast %swap3A_57 : vector<16xi32> to vector<16xi32>
    %swap3A_59 = vector.shape_cast %add3A_55 : vector<16xi32> to vector<16xi32>
    tpu.vector_store %arg9[%swap3A_56], %swap3A_59 {strides = array<i32>} : memref<128xi32, #tpu.memory_space<vmem>>, vector<16xi32>,
    %get3A_60 = arith.constant 48 : index
    %get3A_61 = tpu.vector_load %arg8[%get3A_60] {strides = array<i32>} : memref<128xi32, #tpu.memory_space<vmem>>, vector<16xi32>,
    %get3A_62 = vector.shape_cast %get3A_61 : vector<16xi32> to vector<16xi32>
    %shift_right_arithmetic3A_63 = arith.constant 1 : i32
    %shift_right_arithmetic3A_64 = vector.broadcast %shift_right_arithmetic3A_63 : i32 to vector<16xi32>
    %shift_right_arithmetic3A_65 = arith.shrsi %get3A_62, %shift_right_arithmetic3A_64 : vector<16xi32>
    %mul3A_66 = arith.constant 4 : i32
    %mul3A_67 = vector.broadcast %mul3A_66 : i32 to vector<16xi32>
    %mul3A_68 = arith.muli %mul3A_67, %iota3A : vector<16xi32>
    %add3A_69 = arith.addi %shift_right_arithmetic3A_65, %mul3A_68 : vector<16xi32>
    %add3A_70 = arith.constant 48 : i32
    %add3A_71 = arith.addi %mul3A_2, %add3A_70 : i32
    %mul3A_72 = arith.constant 4 : i32
    %mul3A_73 = arith.muli %mul3A_72, %add3A_71 : i32
    %add3A_74 = vector.broadcast %mul3A_73 : i32 to vector<16xi32>
    %add3A_75 = arith.addi %add3A_69, %add3A_74 : vector<16xi32>
    %swap3A_76 = arith.constant 48 : index
    %swap3A_77 = tpu.vector_load %arg9[%swap3A_76] {strides = array<i32>} : memref<128xi32, #tpu.memory_space<vmem>>, vector<16xi32>,
    %swap3A_78 = vector.shape_cast %swap3A_77 : vector<16xi32> to vector<16xi32>
    %swap3A_79 = vector.shape_cast %add3A_75 : vector<16xi32> to vector<16xi32>
    tpu.vector_store %arg9[%swap3A_76], %swap3A_79 {strides = array<i32>} : memref<128xi32, #tpu.memory_space<vmem>>, vector<16xi32>,
    %get3A_80 = arith.constant 64 : index
    %get3A_81 = tpu.vector_load %arg8[%get3A_80] {strides = array<i32>} : memref<128xi32, #tpu.memory_space<vmem>>, vector<16xi32>,
    %get3A_82 = vector.shape_cast %get3A_81 : vector<16xi32> to vector<16xi32>
    %shift_right_arithmetic3A_83 = arith.constant 1 : i32
    %shift_right_arithmetic3A_84 = vector.broadcast %shift_right_arithmetic3A_83 : i32 to vector<16xi32>
    %shift_right_arithmetic3A_85 = arith.shrsi %get3A_82, %shift_right_arithmetic3A_84 : vector<16xi32>
    %mul3A_86 = arith.constant 4 : i32
    %mul3A_87 = vector.broadcast %mul3A_86 : i32 to vector<16xi32>
    %mul3A_88 = arith.muli %mul3A_87, %iota3A : vector<16xi32>
    %add3A_89 = arith.addi %shift_right_arithmetic3A_85, %mul3A_88 : vector<16xi32>
    %add3A_90 = arith.constant 64 : i32
    %add3A_91 = arith.addi %mul3A_2, %add3A_90 : i32
    %mul3A_92 = arith.constant 4 : i32
    %mul3A_93 = arith.muli %mul3A_92, %add3A_91 : i32
    %add3A_94 = vector.broadcast %mul3A_93 : i32 to vector<16xi32>
    %add3A_95 = arith.addi %add3A_89, %add3A_94 : vector<16xi32>
    %swap3A_96 = arith.constant 64 : index
    %swap3A_97 = tpu.vector_load %arg9[%swap3A_96] {strides = array<i32>} : memref<128xi32, #tpu.memory_space<vmem>>, vector<16xi32>,
    %swap3A_98 = vector.shape_cast %swap3A_97 : vector<16xi32> to vector<16xi32>
    %swap3A_99 = vector.shape_cast %add3A_95 : vector<16xi32> to vector<16xi32>
    tpu.vector_store %arg9[%swap3A_96], %swap3A_99 {strides = array<i32>} : memref<128xi32, #tpu.memory_space<vmem>>, vector<16xi32>,
    %get3A_100 = arith.constant 80 : index
    %get3A_101 = tpu.vector_load %arg8[%get3A_100] {strides = array<i32>} : memref<128xi32, #tpu.memory_space<vmem>>, vector<16xi32>,
    %get3A_102 = vector.shape_cast %get3A_101 : vector<16xi32> to vector<16xi32>
    %shift_right_arithmetic3A_103 = arith.constant 1 : i32
    %shift_right_arithmetic3A_104 = vector.broadcast %shift_right_arithmetic3A_103 : i32 to vector<16xi32>
    %shift_right_arithmetic3A_105 = arith.shrsi %get3A_102, %shift_right_arithmetic3A_104 : vector<16xi32>
    %mul3A_106 = arith.constant 4 : i32
    %mul3A_107 = vector.broadcast %mul3A_106 : i32 to vector<16xi32>
    %mul3A_108 = arith.muli %mul3A_107, %iota3A : vector<16xi32>
    %add3A_109 = arith.addi %shift_right_arithmetic3A_105, %mul3A_108 : vector<16xi32>
    %add3A_110 = arith.constant 80 : i32
    %add3A_111 = arith.addi %mul3A_2, %add3A_110 : i32
    %mul3A_112 = arith.constant 4 : i32
    %mul3A_113 = arith.muli %mul3A_112, %add3A_111 : i32
    %add3A_114 = vector.broadcast %mul3A_113 : i32 to vector<16xi32>
    %add3A_115 = arith.addi %add3A_109, %add3A_114 : vector<16xi32>
    %swap3A_116 = arith.constant 80 : index
    %swap3A_117 = tpu.vector_load %arg9[%swap3A_116] {strides = array<i32>} : memref<128xi32, #tpu.memory_space<vmem>>, vector<16xi32>,
    %swap3A_118 = vector.shape_cast %swap3A_117 : vector<16xi32> to vector<16xi32>
    %swap3A_119 = vector.shape_cast %add3A_115 : vector<16xi32> to vector<16xi32>
    tpu.vector_store %arg9[%swap3A_116], %swap3A_119 {strides = array<i32>} : memref<128xi32, #tpu.memory_space<vmem>>, vector<16xi32>,
    %get3A_120 = arith.constant 96 : index
    %get3A_121 = tpu.vector_load %arg8[%get3A_120] {strides = array<i32>} : memref<128xi32, #tpu.memory_space<vmem>>, vector<16xi32>,
    %get3A_122 = vector.shape_cast %get3A_121 : vector<16xi32> to vector<16xi32>
    %shift_right_arithmetic3A_123 = arith.constant 1 : i32
    %shift_right_arithmetic3A_124 = vector.broadcast %shift_right_arithmetic3A_123 : i32 to vector<16xi32>
    %shift_right_arithmetic3A_125 = arith.shrsi %get3A_122, %shift_right_arithmetic3A_124 : vector<16xi32>
    %mul3A_126 = arith.constant 4 : i32
    %mul3A_127 = vector.broadcast %mul3A_126 : i32 to vector<16xi32>
    %mul3A_128 = arith.muli %mul3A_127, %iota3A : vector<16xi32>
    %add3A_129 = arith.addi %shift_right_arithmetic3A_125, %mul3A_128 : vector<16xi32>
    %add3A_130 = arith.constant 96 : i32
    %add3A_131 = arith.addi %mul3A_2, %add3A_130 : i32
    %mul3A_132 = arith.constant 4 : i32
    %mul3A_133 = arith.muli %mul3A_132, %add3A_131 : i32
    %add3A_134 = vector.broadcast %mul3A_133 : i32 to vector<16xi32>
    %add3A_135 = arith.addi %add3A_129, %add3A_134 : vector<16xi32>
    %swap3A_136 = arith.constant 96 : index
    %swap3A_137 = tpu.vector_load %arg9[%swap3A_136] {strides = array<i32>} : memref<128xi32, #tpu.memory_space<vmem>>, vector<16xi32>,
    %swap3A_138 = vector.shape_cast %swap3A_137 : vector<16xi32> to vector<16xi32>
    %swap3A_139 = vector.shape_cast %add3A_135 : vector<16xi32> to vector<16xi32>
    tpu.vector_store %arg9[%swap3A_136], %swap3A_139 {strides = array<i32>} : memref<128xi32, #tpu.memory_space<vmem>>, vector<16xi32>,
    %get3A_140 = arith.constant 112 : index
    %get3A_141 = tpu.vector_load %arg8[%get3A_140] {strides = array<i32>} : memref<128xi32, #tpu.memory_space<vmem>>, vector<16xi32>,
    %get3A_142 = vector.shape_cast %get3A_141 : vector<16xi32> to vector<16xi32>
    %shift_right_arithmetic3A_143 = arith.constant 1 : i32
    %shift_right_arithmetic3A_144 = vector.broadcast %shift_right_arithmetic3A_143 : i32 to vector<16xi32>
    %shift_right_arithmetic3A_145 = arith.shrsi %get3A_142, %shift_right_arithmetic3A_144 : vector<16xi32>
    %mul3A_146 = arith.constant 4 : i32
    %mul3A_147 = vector.broadcast %mul3A_146 : i32 to vector<16xi32>
    %mul3A_148 = arith.muli %mul3A_147, %iota3A : vector<16xi32>
    %add3A_149 = arith.addi %shift_right_arithmetic3A_145, %mul3A_148 : vector<16xi32>
    %add3A_150 = arith.constant 112 : i32
    %add3A_151 = arith.addi %mul3A_2, %add3A_150 : i32
    %mul3A_152 = arith.constant 4 : i32
    %mul3A_153 = arith.muli %mul3A_152, %add3A_151 : i32
    %add3A_154 = vector.broadcast %mul3A_153 : i32 to vector<16xi32>
    %add3A_155 = arith.addi %add3A_149, %add3A_154 : vector<16xi32>
    %swap3A_156 = arith.constant 112 : index
    %swap3A_157 = tpu.vector_load %arg9[%swap3A_156] {strides = array<i32>} : memref<128xi32, #tpu.memory_space<vmem>>, vector<16xi32>,
    %swap3A_158 = vector.shape_cast %swap3A_157 : vector<16xi32> to vector<16xi32>
    %swap3A_159 = vector.shape_cast %add3A_155 : vector<16xi32> to vector<16xi32>
    tpu.vector_store %arg9[%swap3A_156], %swap3A_159 {strides = array<i32>} : memref<128xi32, #tpu.memory_space<vmem>>, vector<16xi32>,
    %dma_start3A = arith.constant 0 : i32
    %dma_start3A_160 = arith.constant 0 : i32
    %dma_start3A_161 = tpu.memref_slice %arg2[%dma_start3A, %dma_start3A_160] : memref<16384x16xf32, #tpu.memory_space<hbm>> -> memref<16384x16xf32, #tpu.memory_space<hbm>>
    tpu.enqueue_indirect_dma source(%dma_start3A_161 : memref<16384x16xf32, #tpu.memory_space<hbm>>) target(%arg10 : memref<128x16xf32, #tpu.memory_space<vmem>>) offsets(%arg9 : memref<128xi32, #tpu.memory_space<vmem>>) semaphore(%arg11 : memref<!tpu.dma_semaphore, #tpu.memory_space<semaphore_mem>>)
    %dma_wait3A = arith.constant 0 : i32
    %dma_wait3A_162 = arith.constant 0 : i32
    %dma_wait3A_163 = tpu.memref_slice %arg2[%dma_wait3A, %dma_wait3A_162] : memref<16384x16xf32, #tpu.memory_space<hbm>> -> memref<16384x16xf32, #tpu.memory_space<hbm>>
    tpu.wait_indirect_dma semaphore(%arg11 : memref<!tpu.dma_semaphore, #tpu.memory_space<semaphore_mem>>) src(%dma_wait3A_163 : memref<16384x16xf32, #tpu.memory_space<hbm>>) dst(%arg10 : memref<128x16xf32, #tpu.memory_space<vmem>>)
    "tpu.region"() ({
      %run_scoped3A = tpu.sem_alloc : memref<!tpu.dma_semaphore, #tpu.memory_space<semaphore_mem>>
      %dma_start3A_330 = arith.constant 0 : i32
      %dma_start3A_331 = tpu.memref_slice %arg6[%mul3A_2, %dma_start3A_330] : memref<4096x16xf32, #tpu.memory_space<hbm>> -> memref<128x16xf32, #tpu.memory_space<hbm>>
      %dma_start3A_332 = arith.constant 0 : i32
      %dma_start3A_333 = tpu.memref_slice %arg6[%mul3A_2, %dma_start3A_332] : memref<4096x16xf32, #tpu.memory_space<hbm>> -> memref<128x16xf32, #tpu.memory_space<hbm>>
      tpu.enqueue_dma source(%arg10 : memref<128x16xf32, #tpu.memory_space<vmem>>) target(%dma_start3A_333 : memref<128x16xf32, #tpu.memory_space<hbm>>) target_semaphore(%run_scoped3A : memref<!tpu.dma_semaphore, #tpu.memory_space<semaphore_mem>>)
      %dma_wait3A_334 = arith.constant 0 : i32
      %dma_wait3A_335 = tpu.memref_slice %arg6[%mul3A_2, %dma_wait3A_334] : memref<4096x16xf32, #tpu.memory_space<hbm>> -> memref<128x16xf32, #tpu.memory_space<hbm>>
      %dma_wait3A_336 = arith.constant 0 : i32
      %dma_wait3A_337 = tpu.memref_slice %arg6[%mul3A_2, %dma_wait3A_336] : memref<4096x16xf32, #tpu.memory_space<hbm>> -> memref<128x16xf32, #tpu.memory_space<hbm>>
      tpu.wait_dma2 semaphore(%run_scoped3A : memref<!tpu.dma_semaphore, #tpu.memory_space<semaphore_mem>>) src(%arg10 : memref<128x16xf32, #tpu.memory_space<vmem>>) dst(%dma_wait3A_337 : memref<128x16xf32, #tpu.memory_space<hbm>>)
      tpu.yield
    }) : () -> ()
    "tpu.region"() ({
      %run_scoped3A = tpu.sem_alloc : memref<!tpu.dma_semaphore, #tpu.memory_space<semaphore_mem>>
      %dma_start3A_330 = tpu.memref_slice %arg5[%mul3A_2] : memref<4096xi32, #tpu.memory_space<hbm>> -> memref<128xi32, #tpu.memory_space<hbm>>
      %dma_start3A_331 = tpu.memref_slice %arg5[%mul3A_2] : memref<4096xi32, #tpu.memory_space<hbm>> -> memref<128xi32, #tpu.memory_space<hbm>>
      tpu.enqueue_dma source(%dma_start3A_331 : memref<128xi32, #tpu.memory_space<hbm>>) target(%arg8 : memref<128xi32, #tpu.memory_space<vmem>>) target_semaphore(%run_scoped3A : memref<!tpu.dma_semaphore, #tpu.memory_space<semaphore_mem>>)
      %dma_wait3A_332 = tpu.memref_slice %arg5[%mul3A_2] : memref<4096xi32, #tpu.memory_space<hbm>> -> memref<128xi32, #tpu.memory_space<hbm>>
      %dma_wait3A_333 = tpu.memref_slice %arg5[%mul3A_2] : memref<4096xi32, #tpu.memory_space<hbm>> -> memref<128xi32, #tpu.memory_space<hbm>>
      tpu.wait_dma2 semaphore(%run_scoped3A : memref<!tpu.dma_semaphore, #tpu.memory_space<semaphore_mem>>) src(%dma_wait3A_333 : memref<128xi32, #tpu.memory_space<hbm>>) dst(%arg8 : memref<128xi32, #tpu.memory_space<vmem>>)
      tpu.yield
    }) : () -> ()
    %get3A_164 = arith.constant 0 : index
    %get3A_165 = tpu.vector_load %arg8[%get3A_164] {strides = array<i32>} : memref<128xi32, #tpu.memory_space<vmem>>, vector<16xi32>,
    %get3A_166 = vector.shape_cast %get3A_165 : vector<16xi32> to vector<16xi32>
    %shift_right_arithmetic3A_167 = arith.constant 1 : i32
    %shift_right_arithmetic3A_168 = vector.broadcast %shift_right_arithmetic3A_167 : i32 to vector<16xi32>
    %shift_right_arithmetic3A_169 = arith.shrsi %get3A_166, %shift_right_arithmetic3A_168 : vector<16xi32>
    %mul3A_170 = arith.constant 4 : i32
    %mul3A_171 = vector.broadcast %mul3A_170 : i32 to vector<16xi32>
    %mul3A_172 = arith.muli %mul3A_171, %iota3A : vector<16xi32>
    %add3A_173 = arith.addi %shift_right_arithmetic3A_169, %mul3A_172 : vector<16xi32>
    %add3A_174 = arith.constant 0 : i32
    %add3A_175 = arith.addi %mul3A_2, %add3A_174 : i32
    %mul3A_176 = arith.constant 4 : i32
    %mul3A_177 = arith.muli %mul3A_176, %add3A_175 : i32
    %add3A_178 = vector.broadcast %mul3A_177 : i32 to vector<16xi32>
    %add3A_179 = arith.addi %add3A_173, %add3A_178 : vector<16xi32>
    %swap3A_180 = arith.constant 0 : index
    %swap3A_181 = tpu.vector_load %arg9[%swap3A_180] {strides = array<i32>} : memref<128xi32, #tpu.memory_space<vmem>>, vector<16xi32>,
    %swap3A_182 = vector.shape_cast %swap3A_181 : vector<16xi32> to vector<16xi32>
    %swap3A_183 = vector.shape_cast %add3A_179 : vector<16xi32> to vector<16xi32>
    tpu.vector_store %arg9[%swap3A_180], %swap3A_183 {strides = array<i32>} : memref<128xi32, #tpu.memory_space<vmem>>, vector<16xi32>,
    %get3A_184 = arith.constant 16 : index
    %get3A_185 = tpu.vector_load %arg8[%get3A_184] {strides = array<i32>} : memref<128xi32, #tpu.memory_space<vmem>>, vector<16xi32>,
    %get3A_186 = vector.shape_cast %get3A_185 : vector<16xi32> to vector<16xi32>
    %shift_right_arithmetic3A_187 = arith.constant 1 : i32
    %shift_right_arithmetic3A_188 = vector.broadcast %shift_right_arithmetic3A_187 : i32 to vector<16xi32>
    %shift_right_arithmetic3A_189 = arith.shrsi %get3A_186, %shift_right_arithmetic3A_188 : vector<16xi32>
    %mul3A_190 = arith.constant 4 : i32
    %mul3A_191 = vector.broadcast %mul3A_190 : i32 to vector<16xi32>
    %mul3A_192 = arith.muli %mul3A_191, %iota3A : vector<16xi32>
    %add3A_193 = arith.addi %shift_right_arithmetic3A_189, %mul3A_192 : vector<16xi32>
    %add3A_194 = arith.constant 16 : i32
    %add3A_195 = arith.addi %mul3A_2, %add3A_194 : i32
    %mul3A_196 = arith.constant 4 : i32
    %mul3A_197 = arith.muli %mul3A_196, %add3A_195 : i32
    %add3A_198 = vector.broadcast %mul3A_197 : i32 to vector<16xi32>
    %add3A_199 = arith.addi %add3A_193, %add3A_198 : vector<16xi32>
    %swap3A_200 = arith.constant 16 : index
    %swap3A_201 = tpu.vector_load %arg9[%swap3A_200] {strides = array<i32>} : memref<128xi32, #tpu.memory_space<vmem>>, vector<16xi32>,
    %swap3A_202 = vector.shape_cast %swap3A_201 : vector<16xi32> to vector<16xi32>
    %swap3A_203 = vector.shape_cast %add3A_199 : vector<16xi32> to vector<16xi32>
    tpu.vector_store %arg9[%swap3A_200], %swap3A_203 {strides = array<i32>} : memref<128xi32, #tpu.memory_space<vmem>>, vector<16xi32>,
    %get3A_204 = arith.constant 32 : index
    %get3A_205 = tpu.vector_load %arg8[%get3A_204] {strides = array<i32>} : memref<128xi32, #tpu.memory_space<vmem>>, vector<16xi32>,
    %get3A_206 = vector.shape_cast %get3A_205 : vector<16xi32> to vector<16xi32>
    %shift_right_arithmetic3A_207 = arith.constant 1 : i32
    %shift_right_arithmetic3A_208 = vector.broadcast %shift_right_arithmetic3A_207 : i32 to vector<16xi32>
    %shift_right_arithmetic3A_209 = arith.shrsi %get3A_206, %shift_right_arithmetic3A_208 : vector<16xi32>
    %mul3A_210 = arith.constant 4 : i32
    %mul3A_211 = vector.broadcast %mul3A_210 : i32 to vector<16xi32>
    %mul3A_212 = arith.muli %mul3A_211, %iota3A : vector<16xi32>
    %add3A_213 = arith.addi %shift_right_arithmetic3A_209, %mul3A_212 : vector<16xi32>
    %add3A_214 = arith.constant 32 : i32
    %add3A_215 = arith.addi %mul3A_2, %add3A_214 : i32
    %mul3A_216 = arith.constant 4 : i32
    %mul3A_217 = arith.muli %mul3A_216, %add3A_215 : i32
    %add3A_218 = vector.broadcast %mul3A_217 : i32 to vector<16xi32>
    %add3A_219 = arith.addi %add3A_213, %add3A_218 : vector<16xi32>
    %swap3A_220 = arith.constant 32 : index
    %swap3A_221 = tpu.vector_load %arg9[%swap3A_220] {strides = array<i32>} : memref<128xi32, #tpu.memory_space<vmem>>, vector<16xi32>,
    %swap3A_222 = vector.shape_cast %swap3A_221 : vector<16xi32> to vector<16xi32>
    %swap3A_223 = vector.shape_cast %add3A_219 : vector<16xi32> to vector<16xi32>
    tpu.vector_store %arg9[%swap3A_220], %swap3A_223 {strides = array<i32>} : memref<128xi32, #tpu.memory_space<vmem>>, vector<16xi32>,
    %get3A_224 = arith.constant 48 : index
    %get3A_225 = tpu.vector_load %arg8[%get3A_224] {strides = array<i32>} : memref<128xi32, #tpu.memory_space<vmem>>, vector<16xi32>,
    %get3A_226 = vector.shape_cast %get3A_225 : vector<16xi32> to vector<16xi32>
    %shift_right_arithmetic3A_227 = arith.constant 1 : i32
    %shift_right_arithmetic3A_228 = vector.broadcast %shift_right_arithmetic3A_227 : i32 to vector<16xi32>
    %shift_right_arithmetic3A_229 = arith.shrsi %get3A_226, %shift_right_arithmetic3A_228 : vector<16xi32>
    %mul3A_230 = arith.constant 4 : i32
    %mul3A_231 = vector.broadcast %mul3A_230 : i32 to vector<16xi32>
    %mul3A_232 = arith.muli %mul3A_231, %iota3A : vector<16xi32>
    %add3A_233 = arith.addi %shift_right_arithmetic3A_229, %mul3A_232 : vector<16xi32>
    %add3A_234 = arith.constant 48 : i32
    %add3A_235 = arith.addi %mul3A_2, %add3A_234 : i32
    %mul3A_236 = arith.constant 4 : i32
    %mul3A_237 = arith.muli %mul3A_236, %add3A_235 : i32
    %add3A_238 = vector.broadcast %mul3A_237 : i32 to vector<16xi32>
    %add3A_239 = arith.addi %add3A_233, %add3A_238 : vector<16xi32>
    %swap3A_240 = arith.constant 48 : index
    %swap3A_241 = tpu.vector_load %arg9[%swap3A_240] {strides = array<i32>} : memref<128xi32, #tpu.memory_space<vmem>>, vector<16xi32>,
    %swap3A_242 = vector.shape_cast %swap3A_241 : vector<16xi32> to vector<16xi32>
    %swap3A_243 = vector.shape_cast %add3A_239 : vector<16xi32> to vector<16xi32>
    tpu.vector_store %arg9[%swap3A_240], %swap3A_243 {strides = array<i32>} : memref<128xi32, #tpu.memory_space<vmem>>, vector<16xi32>,
    %get3A_244 = arith.constant 64 : index
    %get3A_245 = tpu.vector_load %arg8[%get3A_244] {strides = array<i32>} : memref<128xi32, #tpu.memory_space<vmem>>, vector<16xi32>,
    %get3A_246 = vector.shape_cast %get3A_245 : vector<16xi32> to vector<16xi32>
    %shift_right_arithmetic3A_247 = arith.constant 1 : i32
    %shift_right_arithmetic3A_248 = vector.broadcast %shift_right_arithmetic3A_247 : i32 to vector<16xi32>
    %shift_right_arithmetic3A_249 = arith.shrsi %get3A_246, %shift_right_arithmetic3A_248 : vector<16xi32>
    %mul3A_250 = arith.constant 4 : i32
    %mul3A_251 = vector.broadcast %mul3A_250 : i32 to vector<16xi32>
    %mul3A_252 = arith.muli %mul3A_251, %iota3A : vector<16xi32>
    %add3A_253 = arith.addi %shift_right_arithmetic3A_249, %mul3A_252 : vector<16xi32>
    %add3A_254 = arith.constant 64 : i32
    %add3A_255 = arith.addi %mul3A_2, %add3A_254 : i32
    %mul3A_256 = arith.constant 4 : i32
    %mul3A_257 = arith.muli %mul3A_256, %add3A_255 : i32
    %add3A_258 = vector.broadcast %mul3A_257 : i32 to vector<16xi32>
    %add3A_259 = arith.addi %add3A_253, %add3A_258 : vector<16xi32>
    %swap3A_260 = arith.constant 64 : index
    %swap3A_261 = tpu.vector_load %arg9[%swap3A_260] {strides = array<i32>} : memref<128xi32, #tpu.memory_space<vmem>>, vector<16xi32>,
    %swap3A_262 = vector.shape_cast %swap3A_261 : vector<16xi32> to vector<16xi32>
    %swap3A_263 = vector.shape_cast %add3A_259 : vector<16xi32> to vector<16xi32>
    tpu.vector_store %arg9[%swap3A_260], %swap3A_263 {strides = array<i32>} : memref<128xi32, #tpu.memory_space<vmem>>, vector<16xi32>,
    %get3A_264 = arith.constant 80 : index
    %get3A_265 = tpu.vector_load %arg8[%get3A_264] {strides = array<i32>} : memref<128xi32, #tpu.memory_space<vmem>>, vector<16xi32>,
    %get3A_266 = vector.shape_cast %get3A_265 : vector<16xi32> to vector<16xi32>
    %shift_right_arithmetic3A_267 = arith.constant 1 : i32
    %shift_right_arithmetic3A_268 = vector.broadcast %shift_right_arithmetic3A_267 : i32 to vector<16xi32>
    %shift_right_arithmetic3A_269 = arith.shrsi %get3A_266, %shift_right_arithmetic3A_268 : vector<16xi32>
    %mul3A_270 = arith.constant 4 : i32
    %mul3A_271 = vector.broadcast %mul3A_270 : i32 to vector<16xi32>
    %mul3A_272 = arith.muli %mul3A_271, %iota3A : vector<16xi32>
    %add3A_273 = arith.addi %shift_right_arithmetic3A_269, %mul3A_272 : vector<16xi32>
    %add3A_274 = arith.constant 80 : i32
    %add3A_275 = arith.addi %mul3A_2, %add3A_274 : i32
    %mul3A_276 = arith.constant 4 : i32
    %mul3A_277 = arith.muli %mul3A_276, %add3A_275 : i32
    %add3A_278 = vector.broadcast %mul3A_277 : i32 to vector<16xi32>
    %add3A_279 = arith.addi %add3A_273, %add3A_278 : vector<16xi32>
    %swap3A_280 = arith.constant 80 : index
    %swap3A_281 = tpu.vector_load %arg9[%swap3A_280] {strides = array<i32>} : memref<128xi32, #tpu.memory_space<vmem>>, vector<16xi32>,
    %swap3A_282 = vector.shape_cast %swap3A_281 : vector<16xi32> to vector<16xi32>
    %swap3A_283 = vector.shape_cast %add3A_279 : vector<16xi32> to vector<16xi32>
    tpu.vector_store %arg9[%swap3A_280], %swap3A_283 {strides = array<i32>} : memref<128xi32, #tpu.memory_space<vmem>>, vector<16xi32>,
    %get3A_284 = arith.constant 96 : index
    %get3A_285 = tpu.vector_load %arg8[%get3A_284] {strides = array<i32>} : memref<128xi32, #tpu.memory_space<vmem>>, vector<16xi32>,
    %get3A_286 = vector.shape_cast %get3A_285 : vector<16xi32> to vector<16xi32>
    %shift_right_arithmetic3A_287 = arith.constant 1 : i32
    %shift_right_arithmetic3A_288 = vector.broadcast %shift_right_arithmetic3A_287 : i32 to vector<16xi32>
    %shift_right_arithmetic3A_289 = arith.shrsi %get3A_286, %shift_right_arithmetic3A_288 : vector<16xi32>
    %mul3A_290 = arith.constant 4 : i32
    %mul3A_291 = vector.broadcast %mul3A_290 : i32 to vector<16xi32>
    %mul3A_292 = arith.muli %mul3A_291, %iota3A : vector<16xi32>
    %add3A_293 = arith.addi %shift_right_arithmetic3A_289, %mul3A_292 : vector<16xi32>
    %add3A_294 = arith.constant 96 : i32
    %add3A_295 = arith.addi %mul3A_2, %add3A_294 : i32
    %mul3A_296 = arith.constant 4 : i32
    %mul3A_297 = arith.muli %mul3A_296, %add3A_295 : i32
    %add3A_298 = vector.broadcast %mul3A_297 : i32 to vector<16xi32>
    %add3A_299 = arith.addi %add3A_293, %add3A_298 : vector<16xi32>
    %swap3A_300 = arith.constant 96 : index
    %swap3A_301 = tpu.vector_load %arg9[%swap3A_300] {strides = array<i32>} : memref<128xi32, #tpu.memory_space<vmem>>, vector<16xi32>,
    %swap3A_302 = vector.shape_cast %swap3A_301 : vector<16xi32> to vector<16xi32>
    %swap3A_303 = vector.shape_cast %add3A_299 : vector<16xi32> to vector<16xi32>
    tpu.vector_store %arg9[%swap3A_300], %swap3A_303 {strides = array<i32>} : memref<128xi32, #tpu.memory_space<vmem>>, vector<16xi32>,
    %get3A_304 = arith.constant 112 : index
    %get3A_305 = tpu.vector_load %arg8[%get3A_304] {strides = array<i32>} : memref<128xi32, #tpu.memory_space<vmem>>, vector<16xi32>,
    %get3A_306 = vector.shape_cast %get3A_305 : vector<16xi32> to vector<16xi32>
    %shift_right_arithmetic3A_307 = arith.constant 1 : i32
    %shift_right_arithmetic3A_308 = vector.broadcast %shift_right_arithmetic3A_307 : i32 to vector<16xi32>
    %shift_right_arithmetic3A_309 = arith.shrsi %get3A_306, %shift_right_arithmetic3A_308 : vector<16xi32>
    %mul3A_310 = arith.constant 4 : i32
    %mul3A_311 = vector.broadcast %mul3A_310 : i32 to vector<16xi32>
    %mul3A_312 = arith.muli %mul3A_311, %iota3A : vector<16xi32>
    %add3A_313 = arith.addi %shift_right_arithmetic3A_309, %mul3A_312 : vector<16xi32>
    %add3A_314 = arith.constant 112 : i32
    %add3A_315 = arith.addi %mul3A_2, %add3A_314 : i32
    %mul3A_316 = arith.constant 4 : i32
    %mul3A_317 = arith.muli %mul3A_316, %add3A_315 : i32
    %add3A_318 = vector.broadcast %mul3A_317 : i32 to vector<16xi32>
    %add3A_319 = arith.addi %add3A_313, %add3A_318 : vector<16xi32>
    %swap3A_320 = arith.constant 112 : index
    %swap3A_321 = tpu.vector_load %arg9[%swap3A_320] {strides = array<i32>} : memref<128xi32, #tpu.memory_space<vmem>>, vector<16xi32>,
    %swap3A_322 = vector.shape_cast %swap3A_321 : vector<16xi32> to vector<16xi32>
    %swap3A_323 = vector.shape_cast %add3A_319 : vector<16xi32> to vector<16xi32>
    tpu.vector_store %arg9[%swap3A_320], %swap3A_323 {strides = array<i32>} : memref<128xi32, #tpu.memory_space<vmem>>, vector<16xi32>,
    %dma_start3A_324 = arith.constant 0 : i32
    %dma_start3A_325 = arith.constant 0 : i32
    %dma_start3A_326 = tpu.memref_slice %arg3[%dma_start3A_324, %dma_start3A_325] : memref<16384x16xf32, #tpu.memory_space<hbm>> -> memref<16384x16xf32, #tpu.memory_space<hbm>>
    tpu.enqueue_indirect_dma source(%dma_start3A_326 : memref<16384x16xf32, #tpu.memory_space<hbm>>) target(%arg10 : memref<128x16xf32, #tpu.memory_space<vmem>>) offsets(%arg9 : memref<128xi32, #tpu.memory_space<vmem>>) semaphore(%arg11 : memref<!tpu.dma_semaphore, #tpu.memory_space<semaphore_mem>>)
    %dma_wait3A_327 = arith.constant 0 : i32
    %dma_wait3A_328 = arith.constant 0 : i32
    %dma_wait3A_329 = tpu.memref_slice %arg3[%dma_wait3A_327, %dma_wait3A_328] : memref<16384x16xf32, #tpu.memory_space<hbm>> -> memref<16384x16xf32, #tpu.memory_space<hbm>>
    tpu.wait_indirect_dma semaphore(%arg11 : memref<!tpu.dma_semaphore, #tpu.memory_space<semaphore_mem>>) src(%dma_wait3A_329 : memref<16384x16xf32, #tpu.memory_space<hbm>>) dst(%arg10 : memref<128x16xf32, #tpu.memory_space<vmem>>)
    "tpu.region"() ({
      %run_scoped3A = tpu.sem_alloc : memref<!tpu.dma_semaphore, #tpu.memory_space<semaphore_mem>>
      %dma_start3A_330 = arith.constant 0 : i32
      %dma_start3A_331 = tpu.memref_slice %arg7[%mul3A_2, %dma_start3A_330] : memref<4096x16xf32, #tpu.memory_space<hbm>> -> memref<128x16xf32, #tpu.memory_space<hbm>>
      %dma_start3A_332 = arith.constant 0 : i32
      %dma_start3A_333 = tpu.memref_slice %arg7[%mul3A_2, %dma_start3A_332] : memref<4096x16xf32, #tpu.memory_space<hbm>> -> memref<128x16xf32, #tpu.memory_space<hbm>>
      tpu.enqueue_dma source(%arg10 : memref<128x16xf32, #tpu.memory_space<vmem>>) target(%dma_start3A_333 : memref<128x16xf32, #tpu.memory_space<hbm>>) target_semaphore(%run_scoped3A : memref<!tpu.dma_semaphore, #tpu.memory_space<semaphore_mem>>)
      %dma_wait3A_334 = arith.constant 0 : i32
      %dma_wait3A_335 = tpu.memref_slice %arg7[%mul3A_2, %dma_wait3A_334] : memref<4096x16xf32, #tpu.memory_space<hbm>> -> memref<128x16xf32, #tpu.memory_space<hbm>>
      %dma_wait3A_336 = arith.constant 0 : i32
      %dma_wait3A_337 = tpu.memref_slice %arg7[%mul3A_2, %dma_wait3A_336] : memref<4096x16xf32, #tpu.memory_space<hbm>> -> memref<128x16xf32, #tpu.memory_space<hbm>>
      tpu.wait_dma2 semaphore(%run_scoped3A : memref<!tpu.dma_semaphore, #tpu.memory_space<semaphore_mem>>) src(%arg10 : memref<128x16xf32, #tpu.memory_space<vmem>>) dst(%dma_wait3A_337 : memref<128x16xf32, #tpu.memory_space<hbm>>)
      tpu.yield
    }) : () -> ()
    return
  }
}

module attributes {stable_mosaic.version = 14 : i64} {
  func.func @_slot_kernel(%arg0: i32, %arg1: memref<512x64xf32, #tpu.memory_space<vmem>>, %arg2: memref<4096x64xf32, #tpu.memory_space<vmem>>, %arg3: memref<512x16xf32, #tpu.memory_space<vmem>>, %arg4: memref<4096x16xf32, #tpu.memory_space<vmem>>, %arg5: memref<512x1xi32, #tpu.memory_space<vmem>>, %arg6: memref<4096x1xi32, #tpu.memory_space<vmem>>, %arg7: memref<1x4096xi32, #tpu.memory_space<vmem>>, %arg8: memref<512x4096xf32, #tpu.memory_space<vmem>>) attributes {dimension_semantics = [#tpu.dimension_semantics<arbitrary>], iteration_bounds = array<i64: 8>, scalar_prefetch = 0 : i64, scratch_operands = 0 : i64, tpu.core_type = #tpu.core_type<tc>, window_params = [{transform_indices = @transform_0, window_bounds = array<i64: 512, 64>}, {pipeline_mode = #tpu.pipeline_mode<synchronous>, transform_indices = @transform_1, window_bounds = array<i64: 4096, 64>}, {transform_indices = @transform_2, window_bounds = array<i64: 512, 16>}, {pipeline_mode = #tpu.pipeline_mode<synchronous>, transform_indices = @transform_3, window_bounds = array<i64: 4096, 16>}, {transform_indices = @transform_4, window_bounds = array<i64: 512, 1>}, {pipeline_mode = #tpu.pipeline_mode<synchronous>, transform_indices = @transform_5, window_bounds = array<i64: 4096, 1>}, {pipeline_mode = #tpu.pipeline_mode<synchronous>, transform_indices = @transform_6, window_bounds = array<i64: 1, 4096>}, {transform_indices = @transform_7, window_bounds = array<i64: 512, 4096>}]} {
    %get3A = arith.constant 0 : index
    %get3A_0 = arith.constant 0 : index
    %get3A_1 = vector.load %arg1[%get3A, %get3A_0] : memref<512x64xf32, #tpu.memory_space<vmem>>, vector<512x64xf32>
    %get3A_2 = arith.constant 0 : index
    %get3A_3 = arith.constant 0 : index
    %get3A_4 = vector.load %arg2[%get3A_2, %get3A_3] : memref<4096x64xf32, #tpu.memory_space<vmem>>, vector<4096x64xf32>
    %get3A_5 = arith.constant 0 : index
    %get3A_6 = arith.constant 0 : index
    %get3A_7 = vector.load %arg3[%get3A_5, %get3A_6] : memref<512x16xf32, #tpu.memory_space<vmem>>, vector<512x16xf32>
    %get3A_8 = arith.constant 0 : index
    %get3A_9 = arith.constant 0 : index
    %get3A_10 = vector.load %arg4[%get3A_8, %get3A_9] : memref<4096x16xf32, #tpu.memory_space<vmem>>, vector<4096x16xf32>
    %get3A_11 = arith.constant 0 : index
    %get3A_12 = arith.constant 0 : index
    %get3A_13 = vector.load %arg5[%get3A_11, %get3A_12] : memref<512x1xi32, #tpu.memory_space<vmem>>, vector<512x1xi32>
    %get3A_14 = arith.constant 0 : index
    %get3A_15 = arith.constant 0 : index
    %get3A_16 = vector.load %arg6[%get3A_14, %get3A_15] : memref<4096x1xi32, #tpu.memory_space<vmem>>, vector<4096x1xi32>
    %get3A_17 = arith.constant 0 : index
    %get3A_18 = arith.constant 0 : index
    %get3A_19 = vector.load %arg7[%get3A_17, %get3A_18] : memref<1x4096xi32, #tpu.memory_space<vmem>>, vector<1x4096xi32>
    %iota3A = tpu.iota {dimensions = array<i32: 1>} : vector<512x16xi32>
    %jit3A = arith.constant 8 : i32
    %div3A = vector.broadcast %jit3A : i32 to vector<512x16xi32>
    %div3A_20 = arith.divsi %iota3A, %div3A : vector<512x16xi32>
    %sign3A = arith.constant 0 : i32
    %sign3A_21 = vector.broadcast %sign3A : i32 to vector<512x16xi32>
    %sign3A_22 = arith.cmpi sgt, %iota3A, %sign3A_21 : vector<512x16xi32>
    %sign3A_23 = arith.extui %sign3A_22 : vector<512x16xi1> to vector<512x16xi32>
    %sign3A_24 = arith.constant 0 : i32
    %sign3A_25 = vector.broadcast %sign3A_24 : i32 to vector<512x16xi32>
    %sign3A_26 = arith.cmpi slt, %iota3A, %sign3A_25 : vector<512x16xi32>
    %sign3A_27 = arith.extui %sign3A_26 : vector<512x16xi1> to vector<512x16xi32>
    %sign3A_28 = arith.subi %sign3A_23, %sign3A_27 : vector<512x16xi32>
    %sign3A_29 = arith.constant 0 : i32
    %sign3A_30 = arith.cmpi sgt, %jit3A, %sign3A_29 : i32
    %sign3A_31 = arith.extui %sign3A_30 : i1 to i32
    %sign3A_32 = arith.constant 0 : i32
    %sign3A_33 = arith.cmpi slt, %jit3A, %sign3A_32 : i32
    %sign3A_34 = arith.extui %sign3A_33 : i1 to i32
    %sign3A_35 = arith.subi %sign3A_31, %sign3A_34 : i32
    %ne3A = vector.broadcast %sign3A_35 : i32 to vector<512x16xi32>
    %ne3A_36 = arith.cmpi ne, %sign3A_28, %ne3A : vector<512x16xi32>
    %rem3A = vector.broadcast %jit3A : i32 to vector<512x16xi32>
    %rem3A_37 = arith.remsi %iota3A, %rem3A : vector<512x16xi32>
    %ne3A_38 = arith.constant 0 : i32
    %ne3A_39 = vector.broadcast %ne3A_38 : i32 to vector<512x16xi32>
    %ne3A_40 = arith.cmpi ne, %rem3A_37, %ne3A_39 : vector<512x16xi32>
    %and3A = arith.andi %ne3A_36, %ne3A_40 : vector<512x16xi1>
    %sub3A = arith.constant 1 : i32
    %sub3A_41 = vector.broadcast %sub3A : i32 to vector<512x16xi32>
    %sub3A_42 = arith.subi %div3A_20, %sub3A_41 : vector<512x16xi32>
    %select_n3A = arith.select %and3A, %sub3A_42, %div3A_20 : vector<512x16xi1>, vector<512x16xi32>
    %and3A_43 = arith.constant 1 : i32
    %and3A_44 = vector.broadcast %and3A_43 : i32 to vector<512x1xi32>
    %and3A_45 = arith.andi %get3A_13, %and3A_44 : vector<512x1xi32>
    %eq3A = vector.broadcast %and3A_45 : vector<512x1xi32> to vector<512x16xi32>
    %eq3A_46 = arith.cmpi eq, %select_n3A, %eq3A : vector<512x16xi32>
    %jit3A_47 = arith.constant 0.000000e+00 : f32
    %broadcast_in_dim3A = vector.broadcast %jit3A_47 : f32 to vector<512x16xf32>
    %select_n3A_48 = arith.select %eq3A_46, %get3A_7, %broadcast_in_dim3A : vector<512x16xi1>, vector<512x16xf32>
    %iota3A_49 = tpu.iota {dimensions = array<i32: 1>} : vector<4096x16xi32>
    %jit3A_50 = arith.constant 8 : i32
    %div3A_51 = vector.broadcast %jit3A_50 : i32 to vector<4096x16xi32>
    %div3A_52 = arith.divsi %iota3A_49, %div3A_51 : vector<4096x16xi32>
    %sign3A_53 = arith.constant 0 : i32
    %sign3A_54 = vector.broadcast %sign3A_53 : i32 to vector<4096x16xi32>
    %sign3A_55 = arith.cmpi sgt, %iota3A_49, %sign3A_54 : vector<4096x16xi32>
    %sign3A_56 = arith.extui %sign3A_55 : vector<4096x16xi1> to vector<4096x16xi32>
    %sign3A_57 = arith.constant 0 : i32
    %sign3A_58 = vector.broadcast %sign3A_57 : i32 to vector<4096x16xi32>
    %sign3A_59 = arith.cmpi slt, %iota3A_49, %sign3A_58 : vector<4096x16xi32>
    %sign3A_60 = arith.extui %sign3A_59 : vector<4096x16xi1> to vector<4096x16xi32>
    %sign3A_61 = arith.subi %sign3A_56, %sign3A_60 : vector<4096x16xi32>
    %sign3A_62 = arith.constant 0 : i32
    %sign3A_63 = arith.cmpi sgt, %jit3A_50, %sign3A_62 : i32
    %sign3A_64 = arith.extui %sign3A_63 : i1 to i32
    %sign3A_65 = arith.constant 0 : i32
    %sign3A_66 = arith.cmpi slt, %jit3A_50, %sign3A_65 : i32
    %sign3A_67 = arith.extui %sign3A_66 : i1 to i32
    %sign3A_68 = arith.subi %sign3A_64, %sign3A_67 : i32
    %ne3A_69 = vector.broadcast %sign3A_68 : i32 to vector<4096x16xi32>
    %ne3A_70 = arith.cmpi ne, %sign3A_61, %ne3A_69 : vector<4096x16xi32>
    %rem3A_71 = vector.broadcast %jit3A_50 : i32 to vector<4096x16xi32>
    %rem3A_72 = arith.remsi %iota3A_49, %rem3A_71 : vector<4096x16xi32>
    %ne3A_73 = arith.constant 0 : i32
    %ne3A_74 = vector.broadcast %ne3A_73 : i32 to vector<4096x16xi32>
    %ne3A_75 = arith.cmpi ne, %rem3A_72, %ne3A_74 : vector<4096x16xi32>
    %and3A_76 = arith.andi %ne3A_70, %ne3A_75 : vector<4096x16xi1>
    %sub3A_77 = arith.constant 1 : i32
    %sub3A_78 = vector.broadcast %sub3A_77 : i32 to vector<4096x16xi32>
    %sub3A_79 = arith.subi %div3A_52, %sub3A_78 : vector<4096x16xi32>
    %select_n3A_80 = arith.select %and3A_76, %sub3A_79, %div3A_52 : vector<4096x16xi1>, vector<4096x16xi32>
    %and3A_81 = arith.constant 1 : i32
    %and3A_82 = vector.broadcast %and3A_81 : i32 to vector<4096x1xi32>
    %and3A_83 = arith.andi %get3A_16, %and3A_82 : vector<4096x1xi32>
    %eq3A_84 = vector.broadcast %and3A_83 : vector<4096x1xi32> to vector<4096x16xi32>
    %eq3A_85 = arith.cmpi eq, %select_n3A_80, %eq3A_84 : vector<4096x16xi32>
    %jit3A_86 = arith.constant 0.000000e+00 : f32
    %broadcast_in_dim3A_87 = vector.broadcast %jit3A_86 : f32 to vector<4096x16xf32>
    %select_n3A_88 = arith.select %eq3A_85, %get3A_10, %broadcast_in_dim3A_87 : vector<4096x16xi1>, vector<4096x16xf32>
    %iota3A_89 = tpu.iota {dimensions = array<i32: 0>} : vector<16x16xi32>
    %jit3A_90 = arith.constant 8 : i32
    %eq3A_91 = arith.constant 0 : i32
    %eq3A_92 = arith.cmpi eq, %jit3A_90, %eq3A_91 : i32
    %jit3A_93 = arith.constant 1 : i32
    %select_n3A_94 = arith.select %eq3A_92, %jit3A_93, %jit3A_90 : i32
    %rem3A_95 = vector.broadcast %select_n3A_94 : i32 to vector<16x16xi32>
    %rem3A_96 = arith.remsi %iota3A_89, %rem3A_95 : vector<16x16xi32>
    %ne3A_97 = arith.constant 0 : i32
    %ne3A_98 = vector.broadcast %ne3A_97 : i32 to vector<16x16xi32>
    %ne3A_99 = arith.cmpi ne, %rem3A_96, %ne3A_98 : vector<16x16xi32>
    %lt3A = arith.constant 0 : i32
    %lt3A_100 = vector.broadcast %lt3A : i32 to vector<16x16xi32>
    %lt3A_101 = arith.cmpi slt, %rem3A_96, %lt3A_100 : vector<16x16xi32>
    %lt3A_102 = arith.constant 0 : i32
    %lt3A_103 = arith.cmpi slt, %select_n3A_94, %lt3A_102 : i32
    %ne3A_104 = vector.broadcast %lt3A_103 : i1 to vector<16x16xi1>
    %ne3A_105 = vector.broadcast %ne3A_104 : vector<16x16xi1> to vector<16x16xi1>
    %ne3A_106 = arith.xori %lt3A_101, %ne3A_105 : vector<16x16xi1>
    %and3A_107 = arith.andi %ne3A_106, %ne3A_99 : vector<16x16xi1>
    %add3A = vector.broadcast %select_n3A_94 : i32 to vector<16x16xi32>
    %add3A_108 = arith.addi %rem3A_96, %add3A : vector<16x16xi32>
    %select_n3A_109 = arith.select %and3A_107, %add3A_108, %rem3A_96 : vector<16x16xi1>, vector<16x16xi32>
    %iota3A_110 = tpu.iota {dimensions = array<i32: 1>} : vector<16x16xi32>
    %jit3A_111 = arith.constant 8 : i32
    %eq3A_112 = arith.constant 0 : i32
    %eq3A_113 = arith.cmpi eq, %jit3A_111, %eq3A_112 : i32
    %jit3A_114 = arith.constant 1 : i32
    %select_n3A_115 = arith.select %eq3A_113, %jit3A_114, %jit3A_111 : i32
    %rem3A_116 = vector.broadcast %select_n3A_115 : i32 to vector<16x16xi32>
    %rem3A_117 = arith.remsi %iota3A_110, %rem3A_116 : vector<16x16xi32>
    %ne3A_118 = arith.constant 0 : i32
    %ne3A_119 = vector.broadcast %ne3A_118 : i32 to vector<16x16xi32>
    %ne3A_120 = arith.cmpi ne, %rem3A_117, %ne3A_119 : vector<16x16xi32>
    %lt3A_121 = arith.constant 0 : i32
    %lt3A_122 = vector.broadcast %lt3A_121 : i32 to vector<16x16xi32>
    %lt3A_123 = arith.cmpi slt, %rem3A_117, %lt3A_122 : vector<16x16xi32>
    %lt3A_124 = arith.constant 0 : i32
    %lt3A_125 = arith.cmpi slt, %select_n3A_115, %lt3A_124 : i32
    %ne3A_126 = vector.broadcast %lt3A_125 : i1 to vector<16x16xi1>
    %ne3A_127 = vector.broadcast %ne3A_126 : vector<16x16xi1> to vector<16x16xi1>
    %ne3A_128 = arith.xori %lt3A_123, %ne3A_127 : vector<16x16xi1>
    %and3A_129 = arith.andi %ne3A_128, %ne3A_120 : vector<16x16xi1>
    %add3A_130 = vector.broadcast %select_n3A_115 : i32 to vector<16x16xi32>
    %add3A_131 = arith.addi %rem3A_117, %add3A_130 : vector<16x16xi32>
    %select_n3A_132 = arith.select %and3A_129, %add3A_131, %rem3A_117 : vector<16x16xi1>, vector<16x16xi32>
    %eq3A_133 = arith.cmpi eq, %select_n3A_109, %select_n3A_132 : vector<16x16xi32>
    %jit3A_134 = arith.constant 1.000000e+00 : f32
    %jit3A_135 = arith.constant 0.000000e+00 : f32
    %broadcast_in_dim3A_136 = vector.broadcast %jit3A_134 : f32 to vector<16x16xf32>
    %broadcast_in_dim3A_137 = vector.broadcast %jit3A_135 : f32 to vector<16x16xf32>
    %select_n3A_138 = arith.select %eq3A_133, %broadcast_in_dim3A_136, %broadcast_in_dim3A_137 : vector<16x16xi1>, vector<16x16xf32>
    %convert_element_type3A = arith.truncf %select_n3A_138 : vector<16x16xf32> to vector<16x16xbf16>
    %convert_element_type3A_139 = arith.truncf %select_n3A_48 : vector<512x16xf32> to vector<512x16xbf16>
    %dot_general3A = arith.constant dense<0.000000e+00> : vector<512x16xf32>
    %dot_general3A_140 = tpu.matmul %convert_element_type3A_139, %convert_element_type3A, %dot_general3A {dimension_numbers = #tpu.dot_dimension_numbers<[1], [0], [0], [1], [0, 0, 1, 1], [], []>, transpose_lhs_hint = false} : vector<512x16xbf16>, vector<16x16xbf16>, vector<512x16xf32> -> vector<512x16xf32>
    %convert_element_type3A_141 = arith.truncf %dot_general3A_140 : vector<512x16xf32> to vector<512x16xbf16>
    %convert_element_type3A_142 = arith.truncf %select_n3A_88 : vector<4096x16xf32> to vector<4096x16xbf16>
    %dot_general3A_143 = arith.constant dense<0.000000e+00> : vector<512x4096xf32>
    %dot_general3A_144 = tpu.matmul %convert_element_type3A_141, %convert_element_type3A_142, %dot_general3A_143 {dimension_numbers = #tpu.dot_dimension_numbers<[1], [1], [0], [0], [0, 0, 1, 0], [], []>, transpose_lhs_hint = false} : vector<512x16xbf16>, vector<4096x16xbf16>, vector<512x4096xf32> -> vector<512x4096xf32>
    %dot_general3A_145 = arith.constant dense<0.000000e+00> : vector<512x4096xf32>
    %dot_general3A_146 = tpu.matmul %get3A_1, %get3A_4, %dot_general3A_145 {dimension_numbers = #tpu.dot_dimension_numbers<[1], [1], [0], [0], [0, 0, 1, 0], [], []>, transpose_lhs_hint = false} : vector<512x64xf32>, vector<4096x64xf32>, vector<512x4096xf32> -> vector<512x4096xf32>
    %eq3A_147 = vector.broadcast %get3A_13 : vector<512x1xi32> to vector<512x4096xi32>
    %eq3A_148 = vector.broadcast %get3A_19 : vector<1x4096xi32> to vector<512x4096xi32>
    %eq3A_149 = arith.cmpi eq, %eq3A_147, %eq3A_148 : vector<512x4096xi32>
    %select_n3A_150 = arith.select %eq3A_149, %dot_general3A_146, %dot_general3A_144 : vector<512x4096xi1>, vector<512x4096xf32>
    %swap3A = arith.constant 0 : index
    %swap3A_151 = arith.constant 0 : index
    %swap3A_152 = vector.load %arg8[%swap3A, %swap3A_151] : memref<512x4096xf32, #tpu.memory_space<vmem>>, vector<512x4096xf32>
    tpu.vector_store %arg8[%swap3A, %swap3A_151], %select_n3A_150 {strides = array<i32>} : memref<512x4096xf32, #tpu.memory_space<vmem>>, vector<512x4096xf32>,
    return
  }
  func.func @transform_0(%arg0: i32) -> (i32, i32) {
    %c0_i32 = arith.constant 0 : i32
    %c0_i32_0 = arith.constant 0 : i32
    return %arg0, %c0_i32 : i32, i32
  }
  func.func @transform_1(%arg0: i32) -> (i32, i32) {
    %c0_i32 = arith.constant 0 : i32
    %c0_i32_0 = arith.constant 0 : i32
    %c0_i32_1 = arith.constant 0 : i32
    return %c0_i32, %c0_i32_0 : i32, i32
  }
  func.func @transform_2(%arg0: i32) -> (i32, i32) {
    %c0_i32 = arith.constant 0 : i32
    %c0_i32_0 = arith.constant 0 : i32
    return %arg0, %c0_i32 : i32, i32
  }
  func.func @transform_3(%arg0: i32) -> (i32, i32) {
    %c0_i32 = arith.constant 0 : i32
    %c0_i32_0 = arith.constant 0 : i32
    %c0_i32_1 = arith.constant 0 : i32
    return %c0_i32, %c0_i32_0 : i32, i32
  }
  func.func @transform_4(%arg0: i32) -> (i32, i32) {
    %c0_i32 = arith.constant 0 : i32
    %c0_i32_0 = arith.constant 0 : i32
    return %arg0, %c0_i32 : i32, i32
  }
  func.func @transform_5(%arg0: i32) -> (i32, i32) {
    %c0_i32 = arith.constant 0 : i32
    %c0_i32_0 = arith.constant 0 : i32
    %c0_i32_1 = arith.constant 0 : i32
    return %c0_i32, %c0_i32_0 : i32, i32
  }
  func.func @transform_6(%arg0: i32) -> (i32, i32) {
    %c0_i32 = arith.constant 0 : i32
    %c0_i32_0 = arith.constant 0 : i32
    %c0_i32_1 = arith.constant 0 : i32
    return %c0_i32, %c0_i32_0 : i32, i32
  }
  func.func @transform_7(%arg0: i32) -> (i32, i32) {
    %c0_i32 = arith.constant 0 : i32
    %c0_i32_0 = arith.constant 0 : i32
    return %arg0, %c0_i32 : i32, i32
  }
}

</mosaic_0001>

<sc_bundles>
// kernel: kernel.4.cloned.1.call-start
scs
__scs_entry_jumppad:
0x0: {  	(pc) =	sbr.rel $0x88, $3  }
0x1: {  	(tag) =	ssettag $0x0;
	lr =	simm.s32 $0x1  }
0x2: {  	[smem:$0x3F9D] =	sst lr;
	_ =	strace $0xD0000000  }
0x3: {  	_ = 	snop  }
0x4: {  	_ = 	snop  }
0x5: {  	_ = 	snop  }
0x6: {  	_ = 	snop  }
0x7: {  	_ = 	snop  }
__scs_overlays_trampoline_lowered:
0x8: {  	[smem:$0x3FAC] =	sst s0  }
0x9: {  	[smem:$0x3FAD] =	sst s1  }
0xa: {  	[smem:$0x3FAE] =	sst s2  }
0xb: {  	[smem:$0x3FAF] =	sst s3  }
0xc: {  	[smem:$0x3FB0] =	sst s4  }
0xd: {  	[smem:$0x3FB1] =	sst s5  }
0xe: {  	[smem:$0x3FB2] =	sst s6  }
0xf: {  	[smem:$0x3FB3] =	sst s7  }
0x10: {  	[smem:$0x3FB4] =	sst s8  }
0x11: {  	[smem:$0x3FB5] =	sst s9;
	s0 =	simm.s32 @!p0 $0x0  }
0x12: {  	s1 =	sld [smem:$0x3F9B];
	s0 =	simm.s32 @p0 $0x1  }
0x13: {  	[smem:$0x3FB6] =	sst s0;
	s0 =	simm.s32 @!p1 $0x0  }
0x14: {  	s2 =	sld [smem:$0x3F9A];
	s0 =	simm.s32 @p1 $0x1  }
0x15: {  	[smem:$0x3FB7] =	sst s0;
	s0 =	simm.s32 @!p2 $0x0  }
0x16: {  	s3 =	sld [smem:$0x3FDB];
	s0 =	simm.s32 @p2 $0x1  }
0x17: {  	s4 =	simm.s32 $0x1BF5;
	[smem:$0x3FB9] =	sst s0  }
0x18: {  	s0 =	sld [smem:$0x3F9C];
	_ =	swait.ge [sflag:s4], $0x0  }
0x19: {  	s7 =	sld [smem:$0x3F9D]  }
0x1a: {  	s8 =	sadd.s32 $0xFFFFE003, lr  }
0x1b: {  	s9 =	sadd.s32 $0xFFFFFEF7, lr;
	s5 =	simm.s32 $0xFFFFFFFF;
	p2 =	slt.u32 s8, $0xFFFFF086  }
0x1c: {  	p1 =	slt.u32 s9, $0xF7A;
	s5 =	simm.s32 @!p2 $0x0  }
0x1d: {  	s5 =	simm.s32 @p1 $0x1;
	p0 =	seq.s32 s7, s2  }
0x1e: {  	s7 =	smul.u32 @!p0 $0xF7A, s2;
	p2 =	seq.s32 @!p0 s5, $0x0  }
0x1f: {  	s9 =	smul.u32 $0xF7A, s1;
	s8 =	simm.s32 @!p0 $0x1BF5;
	p2 =	por !p2, p0  }
0x20: {  	[sflag:s8] =	ssyncset.s32 @!p0 $0xFFFFF086;
	s6 =	sadd.s32 @!p0 s3, s7;
	s7 =	simm.s32 @!p0 $0x108  }
0x21: {  	s3 =	sadd.s32 s3, s9;
	s6 =	sadd.s32 @!p0 $0x88, s6;
	s7 =	simm.s32 @p2 $0x1082  }
0x22: {  	[simem:s7], [sflag:s8] =	dma.local @!p0 [hbm:s6], $0xF7A  }
0x23: {  	s9 =	sor.u32 $0xD0000000, s2;
	s6 =	simm.s32 $0x108;
	_ =	swait.ge @!p0 [sflag:s8], $0x0  }
0x24: {  	s3 =	sadd.s32 $0x88, s3;
	s6 =	simm.s32 @!p1 $0x1082;
	[sflag:s4] =	ssyncset.s32 $0xFFFFF086  }
0x25: {  	[simem:s6], [sflag:s4] =	dma.local [hbm:s3], $0xF7A  }
0x26: {  	[smem:$0x3F9D] =	sst s1;
	(tag) =	ssettag s2;
	_ =	strace s9  }
0x27: {  	s1 =	sld [smem:$0x3FAD]  }
0x28: {  	s2 =	sld [smem:$0x3FAE]  }
0x29: {  	s4 =	sld [smem:$0x3FB0]  }
0x2a: {  	p0 =	seq.s32 s5, $0x0;
	s5 =	sld [smem:$0x3FB1]  }
0x2b: {  	s6 =	sld [smem:$0x3FB2]  }
0x2c: {  	s7 =	sld [smem:$0x3FB3]  }
0x2d: {  	s3 =	simm.s32 $0x108;
	s8 =	sld [smem:$0x3FB4]  }
0x2e: {  	s3 =	simm.s32 @!p0 $0x1082;
	s9 =	sld [smem:$0x3FB5]  }
0x2f: {  	lr =	sadd.s32 s0, s3;
	s0 =	sld [smem:$0x3FAC]  }
0x30: {  	s3 =	sld [smem:$0x3FAF]  }
0x31: {  	[smem:$0x3FB8] =	sst s10  }
0x32: {  	s10 =	sld [smem:$0x3FB6];
	_ =	sdelay $0x3  }
0x33: {  	p0 =	seq.s32 s10, $0x1;
	s10 =	sld [smem:$0x3FB8];
	_ =	sdelay $0x3  }
0x34: {  	[smem:$0x3FB8] =	sst s10  }
0x35: {  	s10 =	sld [smem:$0x3FB7];
	_ =	sdelay $0x3  }
0x36: {  	p1 =	seq.s32 s10, $0x1;
	s10 =	sld [smem:$0x3FB8];
	_ =	sdelay $0x3  }
0x37: {  	[smem:$0x3FB8] =	sst s10  }
0x38: {  	s10 =	sld [smem:$0x3FB9]  }
0x39: {  	_ = 	snop;
	(pc) =	sbr.ind lr, $3  }
0x3a: {  	_ = 	snop  }
0x3b: {  	_ = 	snop  }
0x3c: {  	p2 =	seq.s32 s10, $0x1;
	s10 =	sld [smem:$0x3FB8]  }
0x3d: {  	_ =	shalt  }
0x3e: {  	_ =	shalt  }
0x3f: {  	_ =	shalt  }
0x40: {  	_ =	shalt  }
0x41: {  	_ =	shalt  }
0x42: {  	_ =	shalt  }
0x43: {  	_ =	shalt  }
0x44: {  	_ =	shalt  }
0x45: {  	_ =	shalt  }
0x46: {  	_ =	shalt  }
0x47: {  	_ =	shalt  }
0x48: {  	_ =	shalt  }
0x49: {  	_ =	shalt  }
0x4a: {  	_ =	shalt  }
0x4b: {  	_ =	shalt  }
0x4c: {  	_ =	shalt  }
0x4d: {  	_ =	shalt  }
0x4e: {  	_ =	shalt  }
0x4f: {  	_ =	shalt  }
0x50: {  	_ =	shalt  }
0x51: {  	_ =	shalt  }
0x52: {  	_ =	shalt  }
0x53: {  	_ =	shalt  }
0x54: {  	_ =	shalt  }
0x55: {  	_ =	shalt  }
0x56: {  	_ =	shalt  }
0x57: {  	_ =	shalt  }
0x58: {  	_ =	shalt  }
0x59: {  	_ =	shalt  }
0x5a: {  	_ =	shalt  }
0x5b: {  	_ =	shalt  }
0x5c: {  	_ =	shalt  }
0x5d: {  	_ =	shalt  }
0x5e: {  	_ =	shalt  }
0x5f: {  	_ =	shalt  }
0x60: {  	_ =	shalt  }
0x61: {  	_ =	shalt  }
0x62: {  	_ =	shalt  }
0x63: {  	_ =	shalt  }
0x64: {  	_ =	shalt  }
0x65: {  	_ =	shalt  }
0x66: {  	_ =	shalt  }
0x67: {  	_ =	shalt  }
0x68: {  	_ =	shalt  }
0x69: {  	_ =	shalt  }
0x6a: {  	_ =	shalt  }
0x6b: {  	_ =	shalt  }
0x6c: {  	_ =	shalt  }
0x6d: {  	_ =	shalt  }
0x6e: {  	_ =	shalt  }
0x6f: {  	_ =	shalt  }
0x70: {  	_ =	shalt  }
0x71: {  	_ =	shalt  }
0x72: {  	_ =	shalt  }
0x73: {  	_ =	shalt  }
0x74: {  	_ =	shalt  }
0x75: {  	_ =	shalt  }
0x76: {  	_ =	shalt  }
0x77: {  	_ =	shalt  }
0x78: {  	_ =	shalt  }
0x79: {  	_ =	shalt  }
0x7a: {  	_ =	shalt  }
0x7b: {  	_ =	shalt  }
0x7c: {  	_ =	shalt  }
0x7d: {  	_ =	shalt  }
0x7e: {  	_ =	shalt  }
0x7f: {  	_ =	shalt  }
0x80: {  	_ =	shalt  }
0x81: {  	_ =	shalt  }
0x82: {  	_ =	shalt  }
0x83: {  	_ =	shalt  }
0x84: {  	_ =	shalt  }
0x85: {  	_ =	shalt  }
0x86: {  	_ =	shalt  }
0x87: {  	_ =	shalt  }
.Lfunc_end0:
.L_simem_size_0:
called_computation_lowered:
.L_overlay_start_0:
0x88: {  	s2 =	sld [smem:$0x3FD9]  }
0x89: {  	s3 =	sld [smem:$0x3FFE];
	_ =	sdelay $0x1  }
0x8a: {  	s1 =	srdreg.scid  }
0x8b: {  	s0 =	sand.u32 $0x1, s1  }
0x8c: {  	s17 =	sshll.u32 s0, $0xA;
	s2 =	sadd.s32 s3, s2  }
0x8d: {  	s2 =	sadd.s32 s2, s17  }
0x8e: {  	[smem:$0x3FC4] =	sst s2  }
0x8f: {  	_ = 	snop  }
0x90: {  	s2 =	sld [smem:$0x3FC7]  }
0x91: {  	s18 =	sld [smem:$0x3FC6]  }
0x92: {  	s4 =	sld [smem:$0x3FD0];
	(tm) =	ssettm $0x1  }
0x93: {  	s5 =	sld [smem:$0x3FFB];
	_ =	sdelay $0x3  }
0x94: {  	_ =	strace s5  }
0x95: {  	s5 =	sld [smem:$0x3FFC];
	_ =	sdelay $0x3  }
0x96: {  	_ =	strace s5  }
0x97: {  	s5 =	sld [smem:$0x3FFD];
	_ =	sdelay $0x3  }
0x98: {  	_ =	strace s5  }
0x99: {  	_ =	strace $0x8FFFFFFF  }
0x9a: {  	s19 =	sld [smem:$0x3FDB];
	_ =	sdelay $0x1  }
0x9b: {  	s6 =	simm.s32 $_scs_section_size  }
0x9c: {  	s7 =	simm.s32 $_size__tile_overlayer_lowered;
	s8 =	simm.s32 $_tile_overlayer_lowered  }
0x9d: {  	s22 =	simm.s32 $0x1BFF;
	s21 =	sshll.u32 s8, $0x1;
	s5 =	sadd.s32 s6, s19  }
0x9e: {  	s9 =	simm.s32 $0x0;
	s20 =	sshll.u32 s7, $0x1;
	s7 =	sadd.s32 s21, s5  }
0x9f: {  	[timem:s9], [sflag:s22] =	dma.local [hbm:s7], s20  }
0xa0: {  	_ =	swait.ge [sflag:s22], s20  }
0xa1: {  	s6 =	ssub.s32 $0x0, s20;
	[sflag:s22] =	ssyncset.done $0x0  }
0xa2: {  	[sflag:s22] =	ssyncadd.s32 s6;
	_ =	sdelay $0x1  }
0xa3: {  	s23 =	simm.s32 $0x1B8B  }
0xa4: {  	_ =	swait.ge [sflag:s23], $0x1  }
0xa5: {  	[sflag:s23] =	ssyncset.done $0x0  }
0xa6: {  	s25 =	simm.s32 $0x1B8E;
	s24 =	sld [smem:$0x3FFE];
	[sflag:s23] =	ssyncadd.s32 $0xFFFFFFFF  }
0xa7: {  	s26 =	simm.s32 $execute0_lowered;
	[smem:$0x3FD2] =	sst s25  }
0xa8: {  	s7 =	sshll.u32 s26, $0x1;
	_ =	strace $0x80000046;
	[dreg:$0x1] =	wrdreg $0xFFFFFFFF  }
0xa9: {  	s28 =	simm.s32 $_size_execute0_lowered;
	s5 =	sadd.s32 s5, s7;
	[dreg:$0x0] =	wrdreg $0x0  }
0xaa: {  	s7 =	sshll.u32 s28, $0x1;
	[dreg:$0x2] =	wrdreg s5  }
0xab: {  	[dreg:$0x3] =	wrdreg s7  }
0xac: {  	[dreg:$0x4] =	wrdreg $0xC0  }
0xad: {  	_ =	task [dreg:s9], $0x5FFFF  }
0xae: {  	[dreg:$0x1] =	wrdreg $0xFFFFFFFF  }
0xaf: {  	[dreg:$0x0] =	wrdreg $0x60  }
0xb0: {  	[dreg:$0x2] =	wrdreg s4  }
0xb1: {  	[dreg:$0x3] =	wrdreg s24  }
0xb2: {  	[dreg:$0x4] =	wrdreg s2  }
0xb3: {  	[dreg:$0x5] =	wrdreg s18  }
0xb4: {  	[dreg:$0x6] =	wrdreg $0x9  }
0xb5: {  	_ =	task.clear_ibuf [dreg:s9], $0x7FFFF;
	_ =	strace $0x90000046  }
0xb6: {  	s29 =	simm.s32 $0x9;
	_ =	strace $0x80000048  }
0xb7: {  	_ =	swait.ge [sflag:s29], $0x1  }
0xb8: {  	[sflag:s29] =	ssyncadd.s32 $0xFFFFFFFF  }
0xb9: {  	_ =	strace $0x90000048  }
0xba: {  	_ =	sfence  }
0xbb: {  	s30 =	sld [smem:$0x0];
	_ =	sdelay $0x2  }
0xbc: {  	s31 =	sshll.u32 s1, $0xD;
	s1 =	sshrl.u32 s1, $0x2  }
0xbd: {  	s3 =	sand.u32 $0x4000, s31;
	s1 =	sadd.s32 s1, s30  }
0xbe: {  	s0 =	sor.u32 s3, s0;
	s1 =	sshll.u32 s1, $0x11  }
0xbf: {  	s0 =	sor.u32 s1, s0  }
0xc0: {  	s0 =	sadd.s32 $0x8F2B, s0  }
0xc1: {  	[sflag:s0] =	ssyncadd.remote.s32 $0x1  }
0xc2: {  	_ =	sfence.sel $0xFFFF  }
0xc3: {  	[dreg:$0x0] =	wrdreg $0xFFFFFFFF;
	(pc) =	sbr.abs _section_cstart, $3  }
0xc4: {  	[dreg:$0x1] =	wrdreg $0xFFFFFFFF  }
0xc5: {  	_ =	task.clear_ibuf [dreg:s9], $0x2FFFF;
	_ =	strace $0x9FFFFFFF  }
0xc6: {  	(tm) =	ssettm $0x7FFFFFFF  }
0xc7: {  	_ =	shalt  }
tec
execute0_lowered:
.L_overlay_start_1:
0x0: {  	(tag) =	ssettag $0x1  }
0x1: {  	s8 =	rddreg [dreg:$0x0]  }
0x2: {  	s4 =	rddreg [dreg:$0x1]  }
0x3: {  	s5 =	rddreg [dreg:$0x2]  }
0x4: {  	s6 =	rddreg [dreg:$0x3]  }
0x5: {  	s0 =	rddreg [dreg:$0x4]  }
0x6: {  	s2 =	simm.s32 $0x0;
	s3 =	srdreg.scid;
	s1 =	stileid.u32  }
0x7: {  	p0 =	por $0x0, $0x0;
	s7 =	sand.u32 $0x1, s3;
	s29 =	sshll.u32 s1, $0x1  }
0x8: {  	[smem:$0x7FF] =	sst s2;
	s9 =	sor.u32 s7, s29;
	s7 =	ssub.s32 $0x2, s7  }
0x9: {  	s3 =	sadd.s32 $0x1000, s4;
	_ =	strace $0x80000047;
	s30 =	sshrl.u32 s7, $0x1  }
0xa: {  	s10 =	sshll.u32 s9, $0x8;
	s11 =	sshll.u32 s9, $0x4;
	s7 =	ssub.s32 s7, s30  }
0xb: {  	s31 =	sshll.u32 s9, $0x9;
	s4 =	sadd.s32 s10, s4;
	s19 =	smax.u32 s7, $0x1  }
0xc: {  	v0 =	vlaneseq.u32;
	s12 =	sadd.s32 s5, s11;
	s9 =	sor.u32 $0x40, s31;
	p1 =	sne.s32 s19, $0x1  }
.Ltmp0:
0xd: {  	v2 =	vmul.u32 $0x4, v0;
	s13 =	sor.u32 $0x80, s31;
	s14 =	sor.u32 $0xC0, s31;
	(pc) =	sbr.rel @!p1 .LBB2_3-.Ltmp0, $4  }
0xe: {  	s15 =	sor.u32 $0x100, s31;
	s16 =	sor.u32 $0x140, s31;
	s17 =	sor.u32 $0x180, s31  }
0xf: {  	s18 =	sor.u32 $0x1C0, s31;
	s10 =	sadd.s32 s6, s11;
	v6 =	vor.u32 s31, v2;
	s6 =	simm.s32 $0x100;
	v0 =	vor.u32 s9, v2  }
0x10: {  	s11 =	sadd.s32 $0xB000, s4;
	s5 =	sadd.s32 $0x9000, s4;
	s4 =	simm.s32 $0x2;
	v5 =	vor.u32 s13, v2;
	v1 =	vor.u32 s14, v2;
	v3 =	vor.u32 s15, v2  }
0x11: {  	s7 =	simm.s32 $0x80;
	v4 =	vor.u32 s16, v2;
	v7 =	vor.u32 s17, v2;
	v2 =	vor.u32 s18, v2;
	s9 =	simm.s32 $0x1;
	s13 =	sadd.s32 $0xFFFFFFFF, s19  }
0x12: {  	[tilespmem:s2], [sflag:$0x2] =	stream.linear.gather [hbm4b:s12+s2], $0x80, $0x38;
	[tilespmem:$0x900] =	vst v63  }
0x13: {  	_ =	swait.ge [sflag:s4], $0x80  }
0x14: {  	[sflag:s4] =	ssyncset.done $0x0  }
0x15: {  	[sflag:s4] =	ssyncadd.s32 $0xFFFFFF80  }
0x16: {  	v8 =	vld [tilespmem:$0x70]  }
0x17: {  	v9 =	vld [tilespmem:$0x60]  }
0x18: {  	v10 =	vld [tilespmem:$0x40]  }
0x19: {  	v11 =	vld [tilespmem:$0x20]  }
0x1a: {  	v12 =	vld [tilespmem:$0x50]  }
0x1b: {  	v14 =	vld [tilespmem:$0x0];
	v8 =	vshra.s32 v8, $0x1  }
0x1c: {  	v13 =	vld [tilespmem:$0x30];
	v9 =	vshra.s32 v9, $0x1;
	v8 =	vadd.s32 v8, v2  }
0x1d: {  	v15 =	vld [tilespmem:$0x10];
	v10 =	vshra.s32 v10, $0x1;
	v9 =	vadd.s32 v9, v7;
	[tilespmem:$0xF0] =	vst v8  }
0x1e: {  	v10 =	vadd.s32 v10, v3;
	v8 =	vshra.s32 v11, $0x1;
	[tilespmem:$0xE0] =	vst v9  }
0x1f: {  	[tilespmem:$0xC0] =	vst v10;
	v9 =	vshra.s32 v12, $0x1;
	v8 =	vadd.s32 v8, v5  }
0x20: {  	v10 =	vshra.s32 v14, $0x1;
	v9 =	vadd.s32 v9, v4;
	[tilespmem:$0xA0] =	vst v8  }
0x21: {  	v8 =	vshra.s32 v13, $0x1;
	[tilespmem:$0xD0] =	vst v9;
	v9 =	vadd.s32 v10, v6  }
0x22: {  	v10 =	vshra.s32 v15, $0x1;
	v8 =	vadd.s32 v8, v1;
	[tilespmem:$0x80] =	vst v9  }
0x23: {  	[tilespmem:$0xB0] =	vst v8;
	v8 =	vadd.s32 v10, v0  }
0x24: {  	[tilespmem:$0x90] =	vst v8  }
0x25: {  	[tilespmem:s6], [sflag:$0x1] =	stream.indirect.gather [hbm4b:s8+s7], $0x10, s7, s7, $0xb8;
	[tilespmem:$0x900] =	vst v63  }
0x26: {  	_ =	swait.ge [sflag:s9], $0x800  }
0x27: {  	[sflag:s9] =	ssyncset.done $0x0  }
0x28: {  	[sflag:s9] =	ssyncadd.s32 $0xFFFFF800  }
0x29: {  	[hbm4b:s11+s2] =	stream.linear.scatter [tilespmem:s6], [sflag:$0x2], $0x800, $0x38;
	[tilespmem:$0x900] =	vst v63  }
0x2a: {  	_ =	swait.ge [sflag:s4], $0x800  }
0x2b: {  	[sflag:s4] =	ssyncset.done $0x0  }
0x2c: {  	[sflag:s4] =	ssyncadd.s32 $0xFFFFF800  }
0x2d: {  	[tilespmem:s2], [sflag:$0x2] =	stream.linear.gather [hbm4b:s10+s2], $0x80, $0x38;
	[tilespmem:$0x900] =	vst v63  }
0x2e: {  	_ =	swait.ge [sflag:s4], $0x80  }
0x2f: {  	[sflag:s4] =	ssyncset.done $0x0  }
0x30: {  	[sflag:s4] =	ssyncadd.s32 $0xFFFFFF80  }
0x31: {  	v8 =	vld [tilespmem:$0x0]  }
0x32: {  	v9 =	vld [tilespmem:$0x60]  }
0x33: {  	v10 =	vld [tilespmem:$0x20]  }
0x34: {  	v11 =	vld [tilespmem:$0x40]  }
0x35: {  	v61 =	vld [tilespmem:$0x50]  }
0x36: {  	v62 =	vld [tilespmem:$0x30];
	v8 =	vshra.s32 v8, $0x1  }
0x37: {  	v63 =	vld [tilespmem:$0x10];
	v9 =	vshra.s32 v9, $0x1;
	v8 =	vadd.s32 v8, v6  }
0x38: {  	v9 =	vadd.s32 v9, v7;
	[tilespmem:$0x80] =	vst v8;
	v8 =	vshra.s32 v10, $0x1;
	v10 =	vld [tilespmem:$0x70]  }
0x39: {  	p1 =	sne.s32 s13, $0x1;
	v11 =	vshra.s32 v11, $0x1;
	[tilespmem:$0xE0] =	vst v9;
	v8 =	vadd.s32 v8, v5  }
.Ltmp1:
0x3a: {  	v9 =	vshra.s32 v61, $0x1;
	[tilespmem:$0xA0] =	vst v8;
	v8 =	vadd.s32 v11, v3;
	(pc) =	sbr.rel @!p1 .LBB2_3-.Ltmp1, $4  }
0x3b: {  	v11 =	vshra.s32 v62, $0x1;
	[tilespmem:$0xC0] =	vst v8;
	v8 =	vadd.s32 v9, v4  }
0x3c: {  	v9 =	vshra.s32 v63, $0x1;
	v11 =	vadd.s32 v11, v1;
	[tilespmem:$0xD0] =	vst v8  }
0x3d: {  	v8 =	vadd.s32 v9, v0;
	[tilespmem:$0xB0] =	vst v11;
	v9 =	vshra.s32 v10, $0x1  }
0x3e: {  	s13 =	sadd.s32 $0xFFFFFFFF, s13;
	p0 =	por $0x1, $0x1;
	[tilespmem:$0x90] =	vst v8;
	v8 =	vadd.s32 v9, v2  }
.LBB2_2:
0x3f: {  	p1 =	sne.s32 s13, $0x1;
	s13 =	sadd.s32 $0xFFFFFFFF, s13;
	[tilespmem:$0xF0] =	vst v8  }
0x40: {  	[tilespmem:s6], [sflag:$0x1] =	stream.indirect.gather [hbm4b:s3+s7], $0x10, s7, s7, $0xb8;
	[tilespmem:$0x900] =	vst v63  }
0x41: {  	_ =	swait.ge [sflag:s9], $0x800  }
0x42: {  	[sflag:s9] =	ssyncset.done $0x0  }
0x43: {  	[sflag:s9] =	ssyncadd.s32 $0xFFFFF800  }
0x44: {  	[hbm4b:s5+s2] =	stream.linear.scatter [tilespmem:s6], [sflag:$0x2], $0x800, $0x38;
	[tilespmem:$0x900] =	vst v63  }
0x45: {  	_ =	swait.ge [sflag:s4], $0x800  }
0x46: {  	[sflag:s4] =	ssyncset.done $0x0  }
0x47: {  	[sflag:s4] =	ssyncadd.s32 $0xFFFFF800  }
0x48: {  	[tilespmem:s2], [sflag:$0x2] =	stream.linear.gather [hbm4b:s12+s2], $0x80, $0x38;
	[tilespmem:$0x900] =	vst v63  }
0x49: {  	_ =	swait.ge [sflag:s4], $0x80  }
0x4a: {  	[sflag:s4] =	ssyncset.done $0x0  }
0x4b: {  	[sflag:s4] =	ssyncadd.s32 $0xFFFFFF80  }
0x4c: {  	v8 =	vld [tilespmem:$0x70]  }
0x4d: {  	v9 =	vld [tilespmem:$0x60]  }
0x4e: {  	v10 =	vld [tilespmem:$0x40]  }
0x4f: {  	v11 =	vld [tilespmem:$0x20]  }
0x50: {  	v12 =	vld [tilespmem:$0x50]  }
0x51: {  	v13 =	vld [tilespmem:$0x30];
	v8 =	vshra.s32 v8, $0x1  }
0x52: {  	v14 =	vld [tilespmem:$0x0];
	v9 =	vshra.s32 v9, $0x1;
	v8 =	vadd.s32 v8, v2  }
0x53: {  	v15 =	vld [tilespmem:$0x10];
	v10 =	vshra.s32 v10, $0x1;
	v9 =	vadd.s32 v9, v7;
	[tilespmem:$0xF0] =	vst v8  }
0x54: {  	v8 =	vshra.s32 v11, $0x1;
	v10 =	vadd.s32 v10, v3;
	[tilespmem:$0xE0] =	vst v9  }
0x55: {  	v8 =	vadd.s32 v8, v5;
	[tilespmem:$0xC0] =	vst v10;
	v9 =	vshra.s32 v12, $0x1  }
0x56: {  	[tilespmem:$0xA0] =	vst v8;
	v8 =	vshra.s32 v13, $0x1;
	v9 =	vadd.s32 v9, v4  }
0x57: {  	v10 =	vshra.s32 v14, $0x1;
	v8 =	vadd.s32 v8, v1;
	[tilespmem:$0xD0] =	vst v9  }
0x58: {  	v9 =	vadd.s32 v10, v6;
	v10 =	vshra.s32 v15, $0x1;
	[tilespmem:$0xB0] =	vst v8  }
0x59: {  	[tilespmem:$0x80] =	vst v9;
	v8 =	vadd.s32 v10, v0  }
0x5a: {  	[tilespmem:$0x90] =	vst v8  }
0x5b: {  	[tilespmem:s6], [sflag:$0x1] =	stream.indirect.gather [hbm4b:s8+s7], $0x10, s7, s7, $0xb8;
	[tilespmem:$0x900] =	vst v63  }
0x5c: {  	_ =	swait.ge [sflag:s9], $0x800  }
0x5d: {  	[sflag:s9] =	ssyncset.done $0x0  }
0x5e: {  	[sflag:s9] =	ssyncadd.s32 $0xFFFFF800  }
0x5f: {  	[hbm4b:s11+s2] =	stream.linear.scatter [tilespmem:s6], [sflag:$0x2], $0x800, $0x38;
	[tilespmem:$0x900] =	vst v63  }
0x60: {  	_ =	swait.ge [sflag:s4], $0x800  }
0x61: {  	[sflag:s4] =	ssyncset.done $0x0  }
0x62: {  	[sflag:s4] =	ssyncadd.s32 $0xFFFFF800  }
0x63: {  	[tilespmem:s2], [sflag:$0x2] =	stream.linear.gather [hbm4b:s10+s2], $0x80, $0x38;
	[tilespmem:$0x900] =	vst v63  }
0x64: {  	_ =	swait.ge [sflag:s4], $0x80  }
0x65: {  	[sflag:s4] =	ssyncset.done $0x0  }
0x66: {  	[sflag:s4] =	ssyncadd.s32 $0xFFFFFF80  }
0x67: {  	v8 =	vld [tilespmem:$0x0]  }
0x68: {  	v9 =	vld [tilespmem:$0x60]  }
0x69: {  	v10 =	vld [tilespmem:$0x20]  }
0x6a: {  	v11 =	vld [tilespmem:$0x40]  }
0x6b: {  	v12 =	vld [tilespmem:$0x50]  }
0x6c: {  	v8 =	vshra.s32 v8, $0x1;
	v13 =	vld [tilespmem:$0x30]  }
0x6d: {  	v8 =	vadd.s32 v8, v6;
	v14 =	vld [tilespmem:$0x10];
	v9 =	vshra.s32 v9, $0x1  }
0x6e: {  	[tilespmem:$0x80] =	vst v8;
	v8 =	vshra.s32 v10, $0x1;
	v9 =	vadd.s32 v9, v7;
	v10 =	vld [tilespmem:$0x70]  }
0x6f: {  	v8 =	vadd.s32 v8, v5;
	v11 =	vshra.s32 v11, $0x1;
	[tilespmem:$0xE0] =	vst v9  }
.Ltmp2:
0x70: {  	[tilespmem:$0xA0] =	vst v8;
	v8 =	vadd.s32 v11, v3;
	v9 =	vshra.s32 v12, $0x1;
	(pc) =	sbr.rel @p1 .LBB2_2-.Ltmp2, $4  }
0x71: {  	v11 =	vshra.s32 v13, $0x1;
	[tilespmem:$0xC0] =	vst v8;
	v8 =	vadd.s32 v9, v4  }
0x72: {  	v9 =	vshra.s32 v14, $0x1;
	v11 =	vadd.s32 v11, v1;
	[tilespmem:$0xD0] =	vst v8  }
0x73: {  	v8 =	vadd.s32 v9, v0;
	[tilespmem:$0xB0] =	vst v11;
	v9 =	vshra.s32 v10, $0x1  }
0x74: {  	[tilespmem:$0x90] =	vst v8;
	v8 =	vadd.s32 v9, v2  }
.LBB2_3:
0x75: {  	[tilespmem:$0xF0] =	vst @p0 v8  }
0x76: {  	[tilespmem:s6], [sflag:$0x1] =	stream.indirect.gather @p0 [hbm4b:s3+s7], $0x10, s7, s7, $0xb8;
	[tilespmem:$0x900] =	vst v63  }
0x77: {  	_ =	swait.ge @p0 [sflag:s9], $0x800  }
0x78: {  	[sflag:s9] =	ssyncset.done @p0 $0x0  }
0x79: {  	[sflag:s9] =	ssyncadd.s32 @p0 $0xFFFFF800  }
0x7a: {  	[hbm4b:s5+s2] =	stream.linear.scatter @p0 [tilespmem:s6], [sflag:$0x2], $0x800, $0x38;
	[tilespmem:$0x900] =	vst v63  }
0x7b: {  	_ =	swait.ge @p0 [sflag:s4], $0x800  }
0x7c: {  	[sflag:s4] =	ssyncset.done @p0 $0x0  }
0x7d: {  	[sflag:s4] =	ssyncadd.s32 @p0 $0xFFFFF800  }
0x7e: {  	[tilespmem:s2], [sflag:$0x2] =	stream.linear.gather [hbm4b:s12+s2], $0x80, $0x38;
	[tilespmem:$0x900] =	vst v63  }
0x7f: {  	_ =	swait.ge [sflag:s4], $0x80  }
0x80: {  	[sflag:s4] =	ssyncset.done $0x0  }
0x81: {  	[sflag:s4] =	ssyncadd.s32 $0xFFFFFF80  }
0x82: {  	v34 =	vld [tilespmem:$0x70]  }
0x83: {  	v9 =	vld [tilespmem:$0x60]  }
0x84: {  	v10 =	vld [tilespmem:$0x40]  }
0x85: {  	v14 =	vld [tilespmem:$0x0]  }
0x86: {  	v15 =	vld [tilespmem:$0x10]  }
0x87: {  	v11 =	vld [tilespmem:$0x20];
	v8 =	vshra.s32 v34, $0x1  }
0x88: {  	v12 =	vld [tilespmem:$0x50];
	v9 =	vshra.s32 v9, $0x1;
	v8 =	vadd.s32 v8, v2  }
0x89: {  	v13 =	vld [tilespmem:$0x30];
	v10 =	vshra.s32 v10, $0x1;
	v9 =	vadd.s32 v9, v7;
	[tilespmem:$0xF0] =	vst v8  }
0x8a: {  	v38 =	vshra.s32 v14, $0x1;
	v10 =	vadd.s32 v10, v3;
	[tilespmem:$0xE0] =	vst v9  }
0x8b: {  	v40 =	vshra.s32 v15, $0x1;
	v39 =	vadd.s32 v38, v6;
	[tilespmem:$0xC0] =	vst v10  }
0x8c: {  	v35 =	vshra.s32 v11, $0x1;
	v41 =	vadd.s32 v40, v0;
	[tilespmem:$0x80] =	vst v39  }
0x8d: {  	v36 =	vshra.s32 v12, $0x1;
	v8 =	vadd.s32 v35, v5;
	[tilespmem:$0x90] =	vst v41  }
0x8e: {  	v37 =	vshra.s32 v13, $0x1;
	v9 =	vadd.s32 v36, v4;
	[tilespmem:$0xA0] =	vst v8  }
0x8f: {  	v8 =	vadd.s32 v37, v1;
	[tilespmem:$0xD0] =	vst v9  }
0x90: {  	[tilespmem:$0xB0] =	vst v8  }
0x91: {  	[tilespmem:s6], [sflag:$0x1] =	stream.indirect.gather [hbm4b:s8+s7], $0x10, s7, s7, $0xb8;
	[tilespmem:$0x900] =	vst v63  }
0x92: {  	_ =	swait.ge [sflag:s9], $0x800  }
0x93: {  	[sflag:s9] =	ssyncset.done $0x0  }
0x94: {  	[sflag:s9] =	ssyncadd.s32 $0xFFFFF800  }
0x95: {  	[hbm4b:s11+s2] =	stream.linear.scatter [tilespmem:s6], [sflag:$0x2], $0x800, $0x38;
	[tilespmem:$0x900] =	vst v63  }
0x96: {  	_ =	swait.ge [sflag:s4], $0x800  }
0x97: {  	[sflag:s4] =	ssyncset.done $0x0  }
0x98: {  	[sflag:s4] =	ssyncadd.s32 $0xFFFFF800  }
0x99: {  	[tilespmem:s2], [sflag:$0x2] =	stream.linear.gather [hbm4b:s10+s2], $0x80, $0x38;
	[tilespmem:$0x900] =	vst v63  }
0x9a: {  	_ =	swait.ge [sflag:s4], $0x80  }
0x9b: {  	[sflag:s4] =	ssyncset.done $0x0  }
0x9c: {  	[sflag:s4] =	ssyncadd.s32 $0xFFFFFF80  }
0x9d: {  	v42 =	vld [tilespmem:$0x0]  }
0x9e: {  	v43 =	vld [tilespmem:$0x60]  }
0x9f: {  	v44 =	vld [tilespmem:$0x20]  }
0xa0: {  	v45 =	vld [tilespmem:$0x40]  }
0xa1: {  	v46 =	vld [tilespmem:$0x50]  }
0xa2: {  	v47 =	vld [tilespmem:$0x30];
	v8 =	vshra.s32 v42, $0x1  }
0xa3: {  	v49 =	vld [tilespmem:$0x10];
	v9 =	vshra.s32 v43, $0x1;
	v48 =	vadd.s32 v8, v6  }
0xa4: {  	v52 =	vld [tilespmem:$0x70];
	v50 =	vshra.s32 v44, $0x1;
	v51 =	vadd.s32 v9, v7;
	[tilespmem:$0x80] =	vst v48  }
0xa5: {  	v54 =	vshra.s32 v45, $0x1;
	v53 =	vadd.s32 v50, v5;
	[tilespmem:$0xE0] =	vst v51  }
0xa6: {  	v56 =	vshra.s32 v46, $0x1;
	v55 =	vadd.s32 v54, v3;
	[tilespmem:$0xA0] =	vst v53  }
0xa7: {  	v57 =	vshra.s32 v47, $0x1;
	v58 =	vadd.s32 v56, v4;
	[tilespmem:$0xC0] =	vst v55  }
0xa8: {  	v59 =	vshra.s32 v49, $0x1;
	v60 =	vadd.s32 v57, v1;
	[tilespmem:$0xD0] =	vst v58  }
0xa9: {  	v62 =	vshra.s32 v52, $0x1;
	v61 =	vadd.s32 v59, v0;
	[tilespmem:$0xB0] =	vst v60  }
0xaa: {  	v63 =	vadd.s32 v62, v2;
	[tilespmem:$0x90] =	vst v61  }
0xab: {  	[tilespmem:$0xF0] =	vst v63  }
0xac: {  	[tilespmem:s6], [sflag:$0x1] =	stream.indirect.gather [hbm4b:s3+s7], $0x10, s7, s7, $0xb8;
	[tilespmem:$0x900] =	vst v63  }
0xad: {  	_ =	swait.ge [sflag:s9], $0x800  }
0xae: {  	[sflag:s9] =	ssyncset.done $0x0  }
0xaf: {  	[sflag:s9] =	ssyncadd.s32 $0xFFFFF800  }
0xb0: {  	[hbm4b:s5+s2] =	stream.linear.scatter [tilespmem:s6], [sflag:$0x2], $0x800, $0x38;
	[tilespmem:$0x900] =	vst v63  }
0xb1: {  	_ =	swait.ge [sflag:s4], $0x800  }
0xb2: {  	[sflag:s4] =	ssyncset.done $0x0  }
0xb3: {  	[sflag:s4] =	ssyncadd.s32 $0xFFFFF800  }
0xb4: {  	_ =	sfence.sel $0x180000  }
0xb5: {  	[bflag:$0x0] =	sbarrier.arrive $0xFFFF  }
0xb6: {  	p0 =	sne.s32 s1, $0x0;
	_ =	strace $0x90000047  }
0xb7: {  	s0 =	sadd.s32 @!p0 $0x100000, s0;
	[bflag:$0x2] =	sbarrier.arrive $0xFFFF  }
0xb8: {  	[sflag:s0] =	ssyncadd.tile.s32 @!p0 $0x1;
	_ =	shalt  }
.Lfunc_end2:
_tile_overlayer_lowered:
.L_overlay_start_2:
0xb9: {  	(tag) =	ssettag $0x2  }
0xba: {  	s0 =	rddreg [dreg:$0x0];
	s2 =	stileid.u32  }
0xbb: {  	s1 =	rddreg [dreg:$0x1];
	p0 =	sne.s32 s2, $0x0  }
0xbc: {  	s3 =	rddreg [dreg:$0x2];
	[bflag:$0x3] =	sbarrier.arrive $0xFFFF;
	s2 =	simm.s32 @!p0 $0x1C02  }
0xbd: {  	[timem:s3], [sflag:s2] =	dma.local @!p0 [hbm:s0], s1  }
0xbe: {  	s0 =	simm.s32 @!p0 $0x2  }
0xbf: {  	_ =	swait.ge @!p0 [sflag:s0], s1  }
0xc0: {  	s1 =	ssub.s32 @!p0 $0x0, s1;
	[sflag:s0] =	ssyncset.done @!p0 $0x0  }
0xc1: {  	[sflag:s0] =	ssyncadd.s32 @!p0 s1  }
0xc2: {  	[bflag:$0x3] =	sbarrier.arrive $0xFFFF  }
0xc3: {  	_ =	shalt  }

</sc_bundles>
